<compile_context>
chip_gen: v7x
topology: tpu7x:2x2x1
jax: 0.10.2.dev20260603
libtpu: 0.0.44.dev20260713+nightly
codegen_flags: <defaults>
</compile_context>

<pallas_src>
import functools

import jax
import jax.numpy as jnp
from jax import lax
from jax.experimental import pallas as pl
from jax.experimental.pallas import tpu as pltpu
from jax.experimental.pallas import tpu_sc as plsc

B = 8
N = 2048
M = 2048

N_SC = 384
NQ = 4
TCHUNK = N_SC // NQ
L = 16
G = 4
CU = 2

N_TC = N - N_SC
TN = 416
NT = N_TC // TN

BIG = 3.0e38


_GATHER_1D = lax.GatherDimensionNumbers(
    offset_dims=(), collapsed_slice_dims=(0,), start_index_map=(0,))


def _lane_shuffle(v, idx):
    return lax.gather(v, idx[:, None], _GATHER_1D, (1,),
                      mode=lax.GatherScatterMode.PROMISE_IN_BOUNDS)


def _lane_min(v, idx_consts):
    for sh in (8, 4, 2, 1):
        v = jnp.minimum(v, _lane_shuffle(v, idx_consts[sh]))
    return v


def _chamfer_sc_body(tmpl_hbm, src_hbm, minsrc_hbm, tsum_hbm,
                     sv, msv, tv, osv):
    wid = lax.axis_index("s") * 2 + lax.axis_index("c")
    _worker_body(wid, tmpl_hbm, src_hbm, minsrc_hbm, tsum_hbm,
                 sv, msv, tv, osv)


def _worker_body(wid, tmpl_hbm, src_hbm, minsrc_hbm, tsum_hbm,
                 sv, msv, tv, osv):
    b = wid // NQ
    q = wid % NQ

    pltpu.sync_copy(src_hbm.at[b], sv)
    pltpu.sync_copy(tmpl_hbm.at[b, q], tv)

    lanes = lax.iota(jnp.int32, L)
    splat_idx = [jnp.full((L,), j, dtype=jnp.int32) for j in range(L)]
    bfly_idx = {sh: lanes ^ sh for sh in (8, 4, 2, 1)}

    def init_ms(i, carry):
        msv[pl.ds(i * L, L)] = jnp.full((L,), BIG, dtype=jnp.float32)
        return carry

    lax.fori_loop(0, M // L, init_ms, 0)

    def tg_body(tg, ssum):
        tsl = pl.ds(tg * L, L)
        va0 = tv[0, tsl]
        va1 = tv[1, tsl]
        va2 = tv[2, tsl]
        vtn = tv[3, tsl]
        for sg in range(L // G):
            sp = []
            for k in range(G):
                idx = splat_idx[sg * G + k]
                sp.append((_lane_shuffle(va0, idx), _lane_shuffle(va1, idx),
                           _lane_shuffle(va2, idx), _lane_shuffle(vtn, idx)))

            def c_body(ci, accs):
                new = list(accs)
                for u in range(CU):
                    sl = pl.ds((ci * CU + u) * L, L)
                    sx = sv[0, sl]
                    sy = sv[1, sl]
                    sz = sv[2, sl]
                    sn = sv[3, sl]
                    mincur = msv[sl]
                    for k in range(G):
                        t0, t1, t2, tn = sp[k]
                        f = sx * t0 + sy * t1 + sz * t2 + sn
                        new[k] = jnp.minimum(new[k], f)
                        mincur = jnp.minimum(mincur, f + tn)
                    msv[sl] = mincur
                return tuple(new)

            inf = jnp.full((L,), BIG, dtype=jnp.float32)
            accs = lax.fori_loop(0, M // (L * CU), c_body, (inf,) * G)
            for k in range(G):
                ssum = ssum + (_lane_min(accs[k], bfly_idx) + sp[k][3])
        return ssum

    ssum = lax.fori_loop(0, TCHUNK // L, tg_body,
                         jnp.zeros((L,), dtype=jnp.float32))

    osv[...] = ssum
    pltpu.sync_copy(msv, minsrc_hbm.at[b, q])
    pltpu.sync_copy(osv, tsum_hbm.at[b, q])


@functools.lru_cache(maxsize=None)
def _build_chamfer_sc(interpret=False, num_cores=None, num_subcores=None):
    mesh_kwargs = {}
    if num_cores is not None:
        mesh_kwargs = dict(num_cores=num_cores, num_subcores=num_subcores)
    return functools.partial(
        pl.kernel,
        out_type=(
            jax.ShapeDtypeStruct((B, NQ, M), jnp.float32),
            jax.ShapeDtypeStruct((B, NQ, L), jnp.float32),
        ),
        mesh=plsc.VectorSubcoreMesh(core_axis_name="c", subcore_axis_name="s",
                                    **mesh_kwargs),
        scratch_types=[
            pltpu.VMEM((4, M), jnp.float32),
            pltpu.VMEM((M,), jnp.float32),
            pltpu.VMEM((4, TCHUNK), jnp.float32),
            pltpu.VMEM((L,), jnp.float32),
        ],
        interpret=interpret,
    )(_chamfer_sc_body)


def _chamfer_tc_body(tt_ref, src_ref, tn_ref, sn_ref, mint_ref, colmin_ref):
    tt = tt_ref[0]
    ss = src_ref[0]
    dot = lax.dot_general(tt, ss, (((1,), (1,)), ((), ())),
                          preferred_element_type=jnp.float32)
    d = (-2.0 * dot + tn_ref[0, 0, 0][:, None]) + sn_ref[0, 0][None, :]
    mint_ref[0, 0, 0] = jnp.min(d, axis=1)
    colmin_ref[0, 0, 0] = jnp.min(d, axis=0)


_chamfer_tc = pl.pallas_call(
    _chamfer_tc_body,
    grid=(B, NT),
    in_specs=[
        pl.BlockSpec((1, TN, 3), lambda b, i: (b, i, 0)),
        pl.BlockSpec((1, M, 3), lambda b, i: (b, 0, 0)),
        pl.BlockSpec((1, 1, 1, TN), lambda b, i: (b, i, 0, 0)),
        pl.BlockSpec((1, 1, M), lambda b, i: (b, 0, 0)),
    ],
    out_specs=(
        pl.BlockSpec((1, 1, 1, TN), lambda b, i: (b, i, 0, 0)),
        pl.BlockSpec((1, 1, 1, M), lambda b, i: (b, i, 0, 0)),
    ),
    out_shape=(
        jax.ShapeDtypeStruct((B, NT, 1, TN), jnp.float32),
        jax.ShapeDtypeStruct((B, NT, 1, M), jnp.float32),
    ),
)


def _finish_tc(colmin_ref, mint_ref, scmin_ref, sctsum_ref, out_ref):
    m = colmin_ref[:, 0, 0, :]
    for i in range(1, NT):
        m = jnp.minimum(m, colmin_ref[:, i, 0, :])
    for i in range(NQ):
        m = jnp.minimum(m, scmin_ref[:, i, :])
    total = (jnp.sum(m) + jnp.sum(mint_ref[...])
             + jnp.sum(sctsum_ref[...]) / L)
    out_ref[...] = jnp.full((1, 1), total / (N * B))


def _round_bf16(x):
    u = lax.bitcast_convert_type(x, jnp.uint32)
    u = u + jnp.uint32(0x7FFF) + ((u >> 16) & jnp.uint32(1))
    return lax.bitcast_convert_type(u & jnp.uint32(0xFFFF0000), jnp.float32)


def kernel(template, source):
    tmpl_r = _round_bf16(template)
    src_r = _round_bf16(source)
    tn = jnp.sum(template * template, -1)
    sn = jnp.sum(source * source, -1)

    tmpl_aug = jnp.concatenate(
        [tmpl_r[:, :N_SC] * -2.0, tn[:, :N_SC, None]], axis=-1)
    tmpl_soa = tmpl_aug.reshape(B, NQ, TCHUNK, 4).transpose(0, 1, 3, 2)
    src_aug = jnp.concatenate([src_r, sn[:, :, None]], axis=-1)
    src_aug = src_aug.transpose(0, 2, 1)

    tt16 = tmpl_r[:, N_SC:].astype(jnp.bfloat16)
    ss16 = src_r.astype(jnp.bfloat16)

    sc_minsrc, sc_tsum = _build_chamfer_sc()(tmpl_soa, src_aug)
    mint, colmin = _chamfer_tc(
        tt16, ss16,
        tn[:, N_SC:].reshape(B, NT, 1, TN),
        sn.reshape(B, 1, M),
    )
    out = pl.pallas_call(
        _finish_tc,
        out_shape=jax.ShapeDtypeStruct((1, 1), jnp.float32),
    )(colmin, mint, sc_minsrc, sc_tsum)
    return out[0, 0]

# --- scband reference (transcript-rebuilt; emitter-appended) ---
"""Pipeline reference for scband-chamfer-distance-loss-56882546868324 (READ-ONLY COPY).

The authoritative reference and input builder live on the scoring server;
editing this copy changes nothing except your own understanding.
"""

import jax, jax.numpy as jnp
import numpy as np

SCALE = 1.0

def square_distance(src, dst):
    # src: [B, N, 3], dst: [B, M, 3] -> [B, N, M] squared euclidean distances
    d = -2.0 * jnp.einsum('bnc,bmc->bnm', src, dst)
    d = d + jnp.sum(src ** 2, axis=-1)[:, :, None]
    d = d + jnp.sum(dst ** 2, axis=-1)[:, None, :]
    return d

def chamfer_distance(p0, p1):
    # p0: [B, N, 3], p1: [B, M, 3] -> [B]
    d = square_distance(p0, p1)
    d0 = jnp.mean(jnp.min(d, axis=2), axis=1)  # template -> nearest source
    d1 = jnp.mean(jnp.min(d, axis=1), axis=1)  # source -> nearest template
    return d0 + d1

def setup_inputs(seed: int = 0) -> dict:
    key = jax.random.key(seed)
    k1, k2 = jax.random.split(key)
    template = jax.random.normal(k1, (8, 2048, 3), dtype=jnp.float32)
    source = jax.random.normal(k2, (8, 2048, 3), dtype=jnp.float32)
    return {"template": template, "source": source}

def reference(template, source):
    p0 = template / SCALE
    p1 = source / SCALE
    cd = chamfer_distance(p0, p1)  # [B]
    # reduction == 'mean'
    return jnp.mean(cd, axis=0)

if __name__ == "__main__":
    import jax
    _d = setup_inputs()
    print(jax.jit(kernel)(*tuple(_d.values())))

</pallas_src>

<mosaic_0001>
#map = affine_map<(d0, d1) -> (0, 0, 0, 0)>
#map1 = affine_map<(d0, d1) -> (0, 0, 0)>
module attributes {stable_mosaic.version = 14 : i64} {
  func.func @_chamfer_sc_body(%arg0: i32, %arg1: i32, %arg2: memref<8x4x4x96xf32, #tpu.memory_space<hbm>>, %arg3: memref<8x4x2048xf32, #tpu.memory_space<hbm>>, %arg4: memref<8x4x2048xf32, #tpu.memory_space<hbm>>, %arg5: memref<8x4x16xf32, #tpu.memory_space<hbm>>, %arg6: memref<4x2048xf32, #tpu.memory_space<vmem>>, %arg7: memref<2048xf32, #tpu.memory_space<vmem>>, %arg8: memref<4x96xf32, #tpu.memory_space<vmem>>, %arg9: memref<16xf32, #tpu.memory_space<vmem>>) attributes {dimension_semantics = [#tpu.dimension_semantics<core_parallel>, #tpu.dimension_semantics<subcore_parallel>], iteration_bounds = array<i64: 2, 16>, scalar_prefetch = 0 : i64, scratch_operands = 4 : i64, tpu.core_type = #tpu.core_type<sc_vector_subcore>, window_params = [{transform_indices = #map}, {transform_indices = #map1}, {transform_indices = #map1}, {transform_indices = #map1}]} {
    %mul3A = arith.constant 2 : i32
    %mul3A_0 = arith.muli %arg1, %mul3A : i32
    %add3A = arith.addi %mul3A_0, %arg0 : i32
    %jit3A = arith.constant 4 : i32
    %div3A = arith.divsi %add3A, %jit3A : i32
    %sign3A = arith.constant 0 : i32
    %sign3A_1 = arith.cmpi sgt, %add3A, %sign3A : i32
    %sign3A_2 = arith.extui %sign3A_1 : i1 to i32
    %sign3A_3 = arith.constant 0 : i32
    %sign3A_4 = arith.cmpi slt, %add3A, %sign3A_3 : i32
    %sign3A_5 = arith.extui %sign3A_4 : i1 to i32
    %sign3A_6 = arith.subi %sign3A_2, %sign3A_5 : i32
    %sign3A_7 = arith.constant 0 : i32
    %sign3A_8 = arith.cmpi sgt, %jit3A, %sign3A_7 : i32
    %sign3A_9 = arith.extui %sign3A_8 : i1 to i32
    %sign3A_10 = arith.constant 0 : i32
    %sign3A_11 = arith.cmpi slt, %jit3A, %sign3A_10 : i32
    %sign3A_12 = arith.extui %sign3A_11 : i1 to i32
    %sign3A_13 = arith.subi %sign3A_9, %sign3A_12 : i32
    %ne3A = arith.cmpi ne, %sign3A_6, %sign3A_13 : i32
    %rem3A = arith.remsi %add3A, %jit3A : i32
    %ne3A_14 = arith.constant 0 : i32
    %ne3A_15 = arith.cmpi ne, %rem3A, %ne3A_14 : i32
    %and3A = arith.andi %ne3A, %ne3A_15 : i1
    %sub3A = arith.constant 1 : i32
    %sub3A_16 = arith.subi %div3A, %sub3A : i32
    %select_n3A = arith.select %and3A, %sub3A_16, %div3A : i32
    %jit3A_17 = arith.constant 4 : i32
    %eq3A = arith.constant 0 : i32
    %eq3A_18 = arith.cmpi eq, %jit3A_17, %eq3A : i32
    %jit3A_19 = arith.constant 1 : i32
    %select_n3A_20 = arith.select %eq3A_18, %jit3A_19, %jit3A_17 : i32
    %rem3A_21 = arith.remsi %add3A, %select_n3A_20 : i32
    %ne3A_22 = arith.constant 0 : i32
    %ne3A_23 = arith.cmpi ne, %rem3A_21, %ne3A_22 : i32
    %lt3A = arith.constant 0 : i32
    %lt3A_24 = arith.cmpi slt, %rem3A_21, %lt3A : i32
    %lt3A_25 = arith.constant 0 : i32
    %lt3A_26 = arith.cmpi slt, %select_n3A_20, %lt3A_25 : i32
    %ne3A_27 = arith.xori %lt3A_24, %lt3A_26 : i1
    %and3A_28 = arith.andi %ne3A_27, %ne3A_23 : i1
    %add3A_29 = arith.addi %rem3A_21, %select_n3A_20 : i32
    %select_n3A_30 = arith.select %and3A_28, %add3A_29, %rem3A_21 : i32
    "tpu.region"() ({
      %run_scoped3A = tpu.sem_alloc : memref<!tpu.dma_semaphore, #tpu.memory_space<semaphore_mem>>
      %dma_start3A = arith.constant 0 : i32
      %dma_start3A_89 = arith.constant 0 : i32
      %dma_start3A_90 = tpu.memref_slice %arg3[%select_n3A, %dma_start3A, %dma_start3A_89] : memref<8x4x2048xf32, #tpu.memory_space<hbm>> -> memref<1x4x2048xf32, #tpu.memory_space<hbm>>
      %dma_start3A_91 = tpu.memref_squeeze %dma_start3A_90 : memref<1x4x2048xf32, #tpu.memory_space<hbm>> -> memref<4x2048xf32, #tpu.memory_space<hbm>>
      %dma_start3A_92 = arith.constant 0 : i32
      %dma_start3A_93 = arith.constant 0 : i32
      %dma_start3A_94 = tpu.memref_slice %arg3[%select_n3A, %dma_start3A_92, %dma_start3A_93] : memref<8x4x2048xf32, #tpu.memory_space<hbm>> -> memref<1x4x2048xf32, #tpu.memory_space<hbm>>
      %dma_start3A_95 = tpu.memref_squeeze %dma_start3A_94 : memref<1x4x2048xf32, #tpu.memory_space<hbm>> -> memref<4x2048xf32, #tpu.memory_space<hbm>>
      tpu.enqueue_dma source(%dma_start3A_95 : memref<4x2048xf32, #tpu.memory_space<hbm>>) target(%arg6 : memref<4x2048xf32, #tpu.memory_space<vmem>>) target_semaphore(%run_scoped3A : memref<!tpu.dma_semaphore, #tpu.memory_space<semaphore_mem>>)
      %dma_wait3A = arith.constant 0 : i32
      %dma_wait3A_96 = arith.constant 0 : i32
      %dma_wait3A_97 = tpu.memref_slice %arg3[%select_n3A, %dma_wait3A, %dma_wait3A_96] : memref<8x4x2048xf32, #tpu.memory_space<hbm>> -> memref<1x4x2048xf32, #tpu.memory_space<hbm>>
      %dma_wait3A_98 = tpu.memref_squeeze %dma_wait3A_97 : memref<1x4x2048xf32, #tpu.memory_space<hbm>> -> memref<4x2048xf32, #tpu.memory_space<hbm>>
      %dma_wait3A_99 = arith.constant 0 : i32
      %dma_wait3A_100 = arith.constant 0 : i32
      %dma_wait3A_101 = tpu.memref_slice %arg3[%select_n3A, %dma_wait3A_99, %dma_wait3A_100] : memref<8x4x2048xf32, #tpu.memory_space<hbm>> -> memref<1x4x2048xf32, #tpu.memory_space<hbm>>
      %dma_wait3A_102 = tpu.memref_squeeze %dma_wait3A_101 : memref<1x4x2048xf32, #tpu.memory_space<hbm>> -> memref<4x2048xf32, #tpu.memory_space<hbm>>
      tpu.wait_dma2 semaphore(%run_scoped3A : memref<!tpu.dma_semaphore, #tpu.memory_space<semaphore_mem>>) src(%dma_wait3A_102 : memref<4x2048xf32, #tpu.memory_space<hbm>>) dst(%arg6 : memref<4x2048xf32, #tpu.memory_space<vmem>>)
      tpu.yield
    }) : () -> ()
    "tpu.region"() ({
      %run_scoped3A = tpu.sem_alloc : memref<!tpu.dma_semaphore, #tpu.memory_space<semaphore_mem>>
      %dma_start3A = arith.constant 0 : i32
      %dma_start3A_89 = arith.constant 0 : i32
      %dma_start3A_90 = tpu.memref_slice %arg2[%select_n3A, %select_n3A_30, %dma_start3A, %dma_start3A_89] : memref<8x4x4x96xf32, #tpu.memory_space<hbm>> -> memref<1x1x4x96xf32, #tpu.memory_space<hbm>>
      %dma_start3A_91 = tpu.memref_squeeze %dma_start3A_90 : memref<1x1x4x96xf32, #tpu.memory_space<hbm>> -> memref<4x96xf32, #tpu.memory_space<hbm>>
      %dma_start3A_92 = arith.constant 0 : i32
      %dma_start3A_93 = arith.constant 0 : i32
      %dma_start3A_94 = tpu.memref_slice %arg2[%select_n3A, %select_n3A_30, %dma_start3A_92, %dma_start3A_93] : memref<8x4x4x96xf32, #tpu.memory_space<hbm>> -> memref<1x1x4x96xf32, #tpu.memory_space<hbm>>
      %dma_start3A_95 = tpu.memref_squeeze %dma_start3A_94 : memref<1x1x4x96xf32, #tpu.memory_space<hbm>> -> memref<4x96xf32, #tpu.memory_space<hbm>>
      tpu.enqueue_dma source(%dma_start3A_95 : memref<4x96xf32, #tpu.memory_space<hbm>>) target(%arg8 : memref<4x96xf32, #tpu.memory_space<vmem>>) target_semaphore(%run_scoped3A : memref<!tpu.dma_semaphore, #tpu.memory_space<semaphore_mem>>)
      %dma_wait3A = arith.constant 0 : i32
      %dma_wait3A_96 = arith.constant 0 : i32
      %dma_wait3A_97 = tpu.memref_slice %arg2[%select_n3A, %select_n3A_30, %dma_wait3A, %dma_wait3A_96] : memref<8x4x4x96xf32, #tpu.memory_space<hbm>> -> memref<1x1x4x96xf32, #tpu.memory_space<hbm>>
      %dma_wait3A_98 = tpu.memref_squeeze %dma_wait3A_97 : memref<1x1x4x96xf32, #tpu.memory_space<hbm>> -> memref<4x96xf32, #tpu.memory_space<hbm>>
      %dma_wait3A_99 = arith.constant 0 : i32
      %dma_wait3A_100 = arith.constant 0 : i32
      %dma_wait3A_101 = tpu.memref_slice %arg2[%select_n3A, %select_n3A_30, %dma_wait3A_99, %dma_wait3A_100] : memref<8x4x4x96xf32, #tpu.memory_space<hbm>> -> memref<1x1x4x96xf32, #tpu.memory_space<hbm>>
      %dma_wait3A_102 = tpu.memref_squeeze %dma_wait3A_101 : memref<1x1x4x96xf32, #tpu.memory_space<hbm>> -> memref<4x96xf32, #tpu.memory_space<hbm>>
      tpu.wait_dma2 semaphore(%run_scoped3A : memref<!tpu.dma_semaphore, #tpu.memory_space<semaphore_mem>>) src(%dma_wait3A_102 : memref<4x96xf32, #tpu.memory_space<hbm>>) dst(%arg8 : memref<4x96xf32, #tpu.memory_space<vmem>>)
      tpu.yield
    }) : () -> ()
    %iota3A = tpu.iota {dimensions = array<i32: 0>} : vector<16xi32>
    %broadcast_in_dim3A = arith.constant 0 : i32
    %broadcast_in_dim3A_31 = vector.broadcast %broadcast_in_dim3A : i32 to vector<16xi32>
    %broadcast_in_dim3A_32 = arith.constant 1 : i32
    %broadcast_in_dim3A_33 = vector.broadcast %broadcast_in_dim3A_32 : i32 to vector<16xi32>
    %broadcast_in_dim3A_34 = arith.constant 2 : i32
    %broadcast_in_dim3A_35 = vector.broadcast %broadcast_in_dim3A_34 : i32 to vector<16xi32>
    %broadcast_in_dim3A_36 = arith.constant 3 : i32
    %broadcast_in_dim3A_37 = vector.broadcast %broadcast_in_dim3A_36 : i32 to vector<16xi32>
    %broadcast_in_dim3A_38 = arith.constant 4 : i32
    %broadcast_in_dim3A_39 = vector.broadcast %broadcast_in_dim3A_38 : i32 to vector<16xi32>
    %broadcast_in_dim3A_40 = arith.constant 5 : i32
    %broadcast_in_dim3A_41 = vector.broadcast %broadcast_in_dim3A_40 : i32 to vector<16xi32>
    %broadcast_in_dim3A_42 = arith.constant 6 : i32
    %broadcast_in_dim3A_43 = vector.broadcast %broadcast_in_dim3A_42 : i32 to vector<16xi32>
    %broadcast_in_dim3A_44 = arith.constant 7 : i32
    %broadcast_in_dim3A_45 = vector.broadcast %broadcast_in_dim3A_44 : i32 to vector<16xi32>
    %broadcast_in_dim3A_46 = arith.constant 8 : i32
    %broadcast_in_dim3A_47 = vector.broadcast %broadcast_in_dim3A_46 : i32 to vector<16xi32>
    %broadcast_in_dim3A_48 = arith.constant 9 : i32
    %broadcast_in_dim3A_49 = vector.broadcast %broadcast_in_dim3A_48 : i32 to vector<16xi32>
    %broadcast_in_dim3A_50 = arith.constant 10 : i32
    %broadcast_in_dim3A_51 = vector.broadcast %broadcast_in_dim3A_50 : i32 to vector<16xi32>
    %broadcast_in_dim3A_52 = arith.constant 11 : i32
    %broadcast_in_dim3A_53 = vector.broadcast %broadcast_in_dim3A_52 : i32 to vector<16xi32>
    %broadcast_in_dim3A_54 = arith.constant 12 : i32
    %broadcast_in_dim3A_55 = vector.broadcast %broadcast_in_dim3A_54 : i32 to vector<16xi32>
    %broadcast_in_dim3A_56 = arith.constant 13 : i32
    %broadcast_in_dim3A_57 = vector.broadcast %broadcast_in_dim3A_56 : i32 to vector<16xi32>
    %broadcast_in_dim3A_58 = arith.constant 14 : i32
    %broadcast_in_dim3A_59 = vector.broadcast %broadcast_in_dim3A_58 : i32 to vector<16xi32>
    %broadcast_in_dim3A_60 = arith.constant 15 : i32
    %broadcast_in_dim3A_61 = vector.broadcast %broadcast_in_dim3A_60 : i32 to vector<16xi32>
    %xor3A = arith.constant 8 : i32
    %xor3A_62 = vector.broadcast %xor3A : i32 to vector<16xi32>
    %xor3A_63 = arith.xori %iota3A, %xor3A_62 : vector<16xi32>
    %xor3A_64 = arith.constant 4 : i32
    %xor3A_65 = vector.broadcast %xor3A_64 : i32 to vector<16xi32>
    %xor3A_66 = arith.xori %iota3A, %xor3A_65 : vector<16xi32>
    %xor3A_67 = arith.constant 2 : i32
    %xor3A_68 = vector.broadcast %xor3A_67 : i32 to vector<16xi32>
    %xor3A_69 = arith.xori %iota3A, %xor3A_68 : vector<16xi32>
    %xor3A_70 = arith.constant 1 : i32
    %xor3A_71 = vector.broadcast %xor3A_70 : i32 to vector<16xi32>
    %xor3A_72 = arith.xori %iota3A, %xor3A_71 : vector<16xi32>
    %scan3A = arith.constant 0 : i32
    %scan3A_73 = arith.constant 0 : i32
    %scan3A_74 = arith.constant 128 : i32
    %scan3A_75 = arith.addi %scan3A_73, %scan3A_74 : i32
    %scan3A_76 = arith.constant 1 : i32
    scf.for %scan3A_89 = %scan3A_73 to %scan3A_75 step %scan3A_76  : i32 {
      %broadcast_in_dim3A_90 = arith.constant 3.000000e+38 : f32
      %broadcast_in_dim3A_91 = vector.broadcast %broadcast_in_dim3A_90 : f32 to vector<16xf32>
      %mul3A_92 = arith.constant 16 : i32
      %mul3A_93 = arith.muli %scan3A_89, %mul3A_92 : i32
      %swap3A_94 = arith.index_cast %mul3A_93 : i32 to index
      %swap3A_95 = tpu.vector_load %arg7[%swap3A_94] {strides = array<i32>} : memref<2048xf32, #tpu.memory_space<vmem>>, vector<16xf32>,
      %swap3A_96 = vector.shape_cast %swap3A_95 : vector<16xf32> to vector<16xf32>
      %swap3A_97 = vector.shape_cast %broadcast_in_dim3A_91 : vector<16xf32> to vector<16xf32>
      tpu.vector_store %arg7[%swap3A_94], %swap3A_97 {strides = array<i32>} : memref<2048xf32, #tpu.memory_space<vmem>>, vector<16xf32>,
    }
    %scan3A_77 = arith.constant 128 : i32
    %broadcast_in_dim3A_78 = arith.constant 0.000000e+00 : f32
    %broadcast_in_dim3A_79 = vector.broadcast %broadcast_in_dim3A_78 : f32 to vector<16xf32>
    %scan3A_80 = arith.constant 0 : i32
    %scan3A_81 = arith.constant 6 : i32
    %scan3A_82 = arith.addi %scan3A_80, %scan3A_81 : i32
    %scan3A_83 = arith.constant 1 : i32
    %scan3A_84 = scf.for %scan3A_89 = %scan3A_80 to %scan3A_82 step %scan3A_83 iter_args(%scan3A_90 = %broadcast_in_dim3A_79) -> (vector<16xf32>)  : i32 {
      %mul3A_91 = arith.constant 16 : i32
      %mul3A_92 = arith.muli %scan3A_89, %mul3A_91 : i32
      %get3A = arith.constant 0 : i32
      %get3A_93 = arith.index_cast %get3A : i32 to index
      %get3A_94 = arith.index_cast %mul3A_92 : i32 to index
      %get3A_95 = tpu.vector_load %arg8[%get3A_93, %get3A_94] {strides = array<i32>} : memref<4x96xf32, #tpu.memory_space<vmem>>, vector<1x16xf32>,
      %get3A_96 = vector.shape_cast %get3A_95 : vector<1x16xf32> to vector<16xf32>
      %get3A_97 = arith.constant 1 : i32
      %get3A_98 = arith.index_cast %get3A_97 : i32 to index
      %get3A_99 = arith.index_cast %mul3A_92 : i32 to index
      %get3A_100 = tpu.vector_load %arg8[%get3A_98, %get3A_99] {strides = array<i32>} : memref<4x96xf32, #tpu.memory_space<vmem>>, vector<1x16xf32>,
      %get3A_101 = vector.shape_cast %get3A_100 : vector<1x16xf32> to vector<16xf32>
      %get3A_102 = arith.constant 2 : i32
      %get3A_103 = arith.index_cast %get3A_102 : i32 to index
      %get3A_104 = arith.index_cast %mul3A_92 : i32 to index
      %get3A_105 = tpu.vector_load %arg8[%get3A_103, %get3A_104] {strides = array<i32>} : memref<4x96xf32, #tpu.memory_space<vmem>>, vector<1x16xf32>,
      %get3A_106 = vector.shape_cast %get3A_105 : vector<1x16xf32> to vector<16xf32>
      %get3A_107 = arith.constant 3 : i32
      %get3A_108 = arith.index_cast %get3A_107 : i32 to index
      %get3A_109 = arith.index_cast %mul3A_92 : i32 to index
      %get3A_110 = tpu.vector_load %arg8[%get3A_108, %get3A_109] {strides = array<i32>} : memref<4x96xf32, #tpu.memory_space<vmem>>, vector<1x16xf32>,
      %get3A_111 = vector.shape_cast %get3A_110 : vector<1x16xf32> to vector<16xf32>
      %broadcast_in_dim3A_112 = vector.shape_cast %broadcast_in_dim3A_31 : vector<16xi32> to vector<16x1xi32>
      %gather3A = vector.shape_cast %broadcast_in_dim3A_112 : vector<16x1xi32> to vector<16xi32>
      %gather3A_113 = tpu.dynamic_gather %get3A_96[%gather3A] in [0] : vector<16xf32>, vector<16xi32> -> vector<16xf32>
      %broadcast_in_dim3A_114 = vector.shape_cast %broadcast_in_dim3A_31 : vector<16xi32> to vector<16x1xi32>
      %gather3A_115 = vector.shape_cast %broadcast_in_dim3A_114 : vector<16x1xi32> to vector<16xi32>
      %gather3A_116 = tpu.dynamic_gather %get3A_101[%gather3A_115] in [0] : vector<16xf32>, vector<16xi32> -> vector<16xf32>
      %broadcast_in_dim3A_117 = vector.shape_cast %broadcast_in_dim3A_31 : vector<16xi32> to vector<16x1xi32>
      %gather3A_118 = vector.shape_cast %broadcast_in_dim3A_117 : vector<16x1xi32> to vector<16xi32>
      %gather3A_119 = tpu.dynamic_gather %get3A_106[%gather3A_118] in [0] : vector<16xf32>, vector<16xi32> -> vector<16xf32>
      %broadcast_in_dim3A_120 = vector.shape_cast %broadcast_in_dim3A_31 : vector<16xi32> to vector<16x1xi32>
      %gather3A_121 = vector.shape_cast %broadcast_in_dim3A_120 : vector<16x1xi32> to vector<16xi32>
      %gather3A_122 = tpu.dynamic_gather %get3A_111[%gather3A_121] in [0] : vector<16xf32>, vector<16xi32> -> vector<16xf32>
      %broadcast_in_dim3A_123 = vector.shape_cast %broadcast_in_dim3A_33 : vector<16xi32> to vector<16x1xi32>
      %gather3A_124 = vector.shape_cast %broadcast_in_dim3A_123 : vector<16x1xi32> to vector<16xi32>
      %gather3A_125 = tpu.dynamic_gather %get3A_96[%gather3A_124] in [0] : vector<16xf32>, vector<16xi32> -> vector<16xf32>
      %broadcast_in_dim3A_126 = vector.shape_cast %broadcast_in_dim3A_33 : vector<16xi32> to vector<16x1xi32>
      %gather3A_127 = vector.shape_cast %broadcast_in_dim3A_126 : vector<16x1xi32> to vector<16xi32>
      %gather3A_128 = tpu.dynamic_gather %get3A_101[%gather3A_127] in [0] : vector<16xf32>, vector<16xi32> -> vector<16xf32>
      %broadcast_in_dim3A_129 = vector.shape_cast %broadcast_in_dim3A_33 : vector<16xi32> to vector<16x1xi32>
      %gather3A_130 = vector.shape_cast %broadcast_in_dim3A_129 : vector<16x1xi32> to vector<16xi32>
      %gather3A_131 = tpu.dynamic_gather %get3A_106[%gather3A_130] in [0] : vector<16xf32>, vector<16xi32> -> vector<16xf32>
      %broadcast_in_dim3A_132 = vector.shape_cast %broadcast_in_dim3A_33 : vector<16xi32> to vector<16x1xi32>
      %gather3A_133 = vector.shape_cast %broadcast_in_dim3A_132 : vector<16x1xi32> to vector<16xi32>
      %gather3A_134 = tpu.dynamic_gather %get3A_111[%gather3A_133] in [0] : vector<16xf32>, vector<16xi32> -> vector<16xf32>
      %broadcast_in_dim3A_135 = vector.shape_cast %broadcast_in_dim3A_35 : vector<16xi32> to vector<16x1xi32>
      %gather3A_136 = vector.shape_cast %broadcast_in_dim3A_135 : vector<16x1xi32> to vector<16xi32>
      %gather3A_137 = tpu.dynamic_gather %get3A_96[%gather3A_136] in [0] : vector<16xf32>, vector<16xi32> -> vector<16xf32>
      %broadcast_in_dim3A_138 = vector.shape_cast %broadcast_in_dim3A_35 : vector<16xi32> to vector<16x1xi32>
      %gather3A_139 = vector.shape_cast %broadcast_in_dim3A_138 : vector<16x1xi32> to vector<16xi32>
      %gather3A_140 = tpu.dynamic_gather %get3A_101[%gather3A_139] in [0] : vector<16xf32>, vector<16xi32> -> vector<16xf32>
      %broadcast_in_dim3A_141 = vector.shape_cast %broadcast_in_dim3A_35 : vector<16xi32> to vector<16x1xi32>
      %gather3A_142 = vector.shape_cast %broadcast_in_dim3A_141 : vector<16x1xi32> to vector<16xi32>
      %gather3A_143 = tpu.dynamic_gather %get3A_106[%gather3A_142] in [0] : vector<16xf32>, vector<16xi32> -> vector<16xf32>
      %broadcast_in_dim3A_144 = vector.shape_cast %broadcast_in_dim3A_35 : vector<16xi32> to vector<16x1xi32>
      %gather3A_145 = vector.shape_cast %broadcast_in_dim3A_144 : vector<16x1xi32> to vector<16xi32>
      %gather3A_146 = tpu.dynamic_gather %get3A_111[%gather3A_145] in [0] : vector<16xf32>, vector<16xi32> -> vector<16xf32>
      %broadcast_in_dim3A_147 = vector.shape_cast %broadcast_in_dim3A_37 : vector<16xi32> to vector<16x1xi32>
      %gather3A_148 = vector.shape_cast %broadcast_in_dim3A_147 : vector<16x1xi32> to vector<16xi32>
      %gather3A_149 = tpu.dynamic_gather %get3A_96[%gather3A_148] in [0] : vector<16xf32>, vector<16xi32> -> vector<16xf32>
      %broadcast_in_dim3A_150 = vector.shape_cast %broadcast_in_dim3A_37 : vector<16xi32> to vector<16x1xi32>
      %gather3A_151 = vector.shape_cast %broadcast_in_dim3A_150 : vector<16x1xi32> to vector<16xi32>
      %gather3A_152 = tpu.dynamic_gather %get3A_101[%gather3A_151] in [0] : vector<16xf32>, vector<16xi32> -> vector<16xf32>
      %broadcast_in_dim3A_153 = vector.shape_cast %broadcast_in_dim3A_37 : vector<16xi32> to vector<16x1xi32>
      %gather3A_154 = vector.shape_cast %broadcast_in_dim3A_153 : vector<16x1xi32> to vector<16xi32>
      %gather3A_155 = tpu.dynamic_gather %get3A_106[%gather3A_154] in [0] : vector<16xf32>, vector<16xi32> -> vector<16xf32>
      %broadcast_in_dim3A_156 = vector.shape_cast %broadcast_in_dim3A_37 : vector<16xi32> to vector<16x1xi32>
      %gather3A_157 = vector.shape_cast %broadcast_in_dim3A_156 : vector<16x1xi32> to vector<16xi32>
      %gather3A_158 = tpu.dynamic_gather %get3A_111[%gather3A_157] in [0] : vector<16xf32>, vector<16xi32> -> vector<16xf32>
      %broadcast_in_dim3A_159 = arith.constant 3.000000e+38 : f32
      %broadcast_in_dim3A_160 = vector.broadcast %broadcast_in_dim3A_159 : f32 to vector<16xf32>
      %scan3A_161 = arith.constant 0 : i32
      %scan3A_162 = arith.constant 64 : i32
      %scan3A_163 = arith.addi %scan3A_161, %scan3A_162 : i32
      %scan3A_164 = arith.constant 1 : i32
      %scan3A_165:4 = scf.for %scan3A_622 = %scan3A_161 to %scan3A_163 step %scan3A_164 iter_args(%scan3A_623 = %broadcast_in_dim3A_160, %scan3A_624 = %broadcast_in_dim3A_160, %scan3A_625 = %broadcast_in_dim3A_160, %scan3A_626 = %broadcast_in_dim3A_160) -> (vector<16xf32>, vector<16xf32>, vector<16xf32>, vector<16xf32>)  : i32 {
        %mul3A_627 = arith.constant 2 : i32
        %mul3A_628 = arith.muli %scan3A_622, %mul3A_627 : i32
        %add3A_629 = arith.constant 0 : i32
        %add3A_630 = arith.addi %mul3A_628, %add3A_629 : i32
        %mul3A_631 = arith.constant 16 : i32
        %mul3A_632 = arith.muli %add3A_630, %mul3A_631 : i32
        %get3A_633 = arith.constant 0 : i32
        %get3A_634 = arith.index_cast %get3A_633 : i32 to index
        %get3A_635 = arith.index_cast %mul3A_632 : i32 to index
        %get3A_636 = tpu.vector_load %arg6[%get3A_634, %get3A_635] {strides = array<i32>} : memref<4x2048xf32, #tpu.memory_space<vmem>>, vector<1x16xf32>,
        %get3A_637 = vector.shape_cast %get3A_636 : vector<1x16xf32> to vector<16xf32>
        %get3A_638 = arith.constant 1 : i32
        %get3A_639 = arith.index_cast %get3A_638 : i32 to index
        %get3A_640 = arith.index_cast %mul3A_632 : i32 to index
        %get3A_641 = tpu.vector_load %arg6[%get3A_639, %get3A_640] {strides = array<i32>} : memref<4x2048xf32, #tpu.memory_space<vmem>>, vector<1x16xf32>,
        %get3A_642 = vector.shape_cast %get3A_641 : vector<1x16xf32> to vector<16xf32>
        %get3A_643 = arith.constant 2 : i32
        %get3A_644 = arith.index_cast %get3A_643 : i32 to index
        %get3A_645 = arith.index_cast %mul3A_632 : i32 to index
        %get3A_646 = tpu.vector_load %arg6[%get3A_644, %get3A_645] {strides = array<i32>} : memref<4x2048xf32, #tpu.memory_space<vmem>>, vector<1x16xf32>,
        %get3A_647 = vector.shape_cast %get3A_646 : vector<1x16xf32> to vector<16xf32>
        %get3A_648 = arith.constant 3 : i32
        %get3A_649 = arith.index_cast %get3A_648 : i32 to index
        %get3A_650 = arith.index_cast %mul3A_632 : i32 to index
        %get3A_651 = tpu.vector_load %arg6[%get3A_649, %get3A_650] {strides = array<i32>} : memref<4x2048xf32, #tpu.memory_space<vmem>>, vector<1x16xf32>,
        %get3A_652 = vector.shape_cast %get3A_651 : vector<1x16xf32> to vector<16xf32>
        %get3A_653 = arith.index_cast %mul3A_632 : i32 to index
        %get3A_654 = tpu.vector_load %arg7[%get3A_653] {strides = array<i32>} : memref<2048xf32, #tpu.memory_space<vmem>>, vector<16xf32>,
        %get3A_655 = vector.shape_cast %get3A_654 : vector<16xf32> to vector<16xf32>
        %mul3A_656 = arith.mulf %get3A_637, %gather3A_113 : vector<16xf32>
        %mul3A_657 = arith.mulf %get3A_642, %gather3A_116 : vector<16xf32>
        %add3A_658 = arith.addf %mul3A_656, %mul3A_657 : vector<16xf32>
        %mul3A_659 = arith.mulf %get3A_647, %gather3A_119 : vector<16xf32>
        %add3A_660 = arith.addf %add3A_658, %mul3A_659 : vector<16xf32>
        %add3A_661 = arith.addf %add3A_660, %get3A_652 : vector<16xf32>
        %min3A_662 = arith.minimumf %scan3A_623, %add3A_661 : vector<16xf32>
        %add3A_663 = arith.addf %add3A_661, %gather3A_122 : vector<16xf32>
        %min3A_664 = arith.minimumf %get3A_655, %add3A_663 : vector<16xf32>
        %mul3A_665 = arith.mulf %get3A_637, %gather3A_125 : vector<16xf32>
        %mul3A_666 = arith.mulf %get3A_642, %gather3A_128 : vector<16xf32>
        %add3A_667 = arith.addf %mul3A_665, %mul3A_666 : vector<16xf32>
        %mul3A_668 = arith.mulf %get3A_647, %gather3A_131 : vector<16xf32>
        %add3A_669 = arith.addf %add3A_667, %mul3A_668 : vector<16xf32>
        %add3A_670 = arith.addf %add3A_669, %get3A_652 : vector<16xf32>
        %min3A_671 = arith.minimumf %scan3A_624, %add3A_670 : vector<16xf32>
        %add3A_672 = arith.addf %add3A_670, %gather3A_134 : vector<16xf32>
        %min3A_673 = arith.minimumf %min3A_664, %add3A_672 : vector<16xf32>
        %mul3A_674 = arith.mulf %get3A_637, %gather3A_137 : vector<16xf32>
        %mul3A_675 = arith.mulf %get3A_642, %gather3A_140 : vector<16xf32>
        %add3A_676 = arith.addf %mul3A_674, %mul3A_675 : vector<16xf32>
        %mul3A_677 = arith.mulf %get3A_647, %gather3A_143 : vector<16xf32>
        %add3A_678 = arith.addf %add3A_676, %mul3A_677 : vector<16xf32>
        %add3A_679 = arith.addf %add3A_678, %get3A_652 : vector<16xf32>
        %min3A_680 = arith.minimumf %scan3A_625, %add3A_679 : vector<16xf32>
        %add3A_681 = arith.addf %add3A_679, %gather3A_146 : vector<16xf32>
        %min3A_682 = arith.minimumf %min3A_673, %add3A_681 : vector<16xf32>
        %mul3A_683 = arith.mulf %get3A_637, %gather3A_149 : vector<16xf32>
        %mul3A_684 = arith.mulf %get3A_642, %gather3A_152 : vector<16xf32>
        %add3A_685 = arith.addf %mul3A_683, %mul3A_684 : vector<16xf32>
        %mul3A_686 = arith.mulf %get3A_647, %gather3A_155 : vector<16xf32>
        %add3A_687 = arith.addf %add3A_685, %mul3A_686 : vector<16xf32>
        %add3A_688 = arith.addf %add3A_687, %get3A_652 : vector<16xf32>
        %min3A_689 = arith.minimumf %scan3A_626, %add3A_688 : vector<16xf32>
        %add3A_690 = arith.addf %add3A_688, %gather3A_158 : vector<16xf32>
        %min3A_691 = arith.minimumf %min3A_682, %add3A_690 : vector<16xf32>
        %swap3A_692 = arith.index_cast %mul3A_632 : i32 to index
        %swap3A_693 = tpu.vector_load %arg7[%swap3A_692] {strides = array<i32>} : memref<2048xf32, #tpu.memory_space<vmem>>, vector<16xf32>,
        %swap3A_694 = vector.shape_cast %swap3A_693 : vector<16xf32> to vector<16xf32>
        %swap3A_695 = vector.shape_cast %min3A_691 : vector<16xf32> to vector<16xf32>
        tpu.vector_store %arg7[%swap3A_692], %swap3A_695 {strides = array<i32>} : memref<2048xf32, #tpu.memory_space<vmem>>, vector<16xf32>,
        %mul3A_696 = arith.constant 2 : i32
        %mul3A_697 = arith.muli %scan3A_622, %mul3A_696 : i32
        %add3A_698 = arith.constant 1 : i32
        %add3A_699 = arith.addi %mul3A_697, %add3A_698 : i32
        %mul3A_700 = arith.constant 16 : i32
        %mul3A_701 = arith.muli %add3A_699, %mul3A_700 : i32
        %get3A_702 = arith.constant 0 : i32
        %get3A_703 = arith.index_cast %get3A_702 : i32 to index
        %get3A_704 = arith.index_cast %mul3A_701 : i32 to index
        %get3A_705 = tpu.vector_load %arg6[%get3A_703, %get3A_704] {strides = array<i32>} : memref<4x2048xf32, #tpu.memory_space<vmem>>, vector<1x16xf32>,
        %get3A_706 = vector.shape_cast %get3A_705 : vector<1x16xf32> to vector<16xf32>
        %get3A_707 = arith.constant 1 : i32
        %get3A_708 = arith.index_cast %get3A_707 : i32 to index
        %get3A_709 = arith.index_cast %mul3A_701 : i32 to index
        %get3A_710 = tpu.vector_load %arg6[%get3A_708, %get3A_709] {strides = array<i32>} : memref<4x2048xf32, #tpu.memory_space<vmem>>, vector<1x16xf32>,
        %get3A_711 = vector.shape_cast %get3A_710 : vector<1x16xf32> to vector<16xf32>
        %get3A_712 = arith.constant 2 : i32
        %get3A_713 = arith.index_cast %get3A_712 : i32 to index
        %get3A_714 = arith.index_cast %mul3A_701 : i32 to index
        %get3A_715 = tpu.vector_load %arg6[%get3A_713, %get3A_714] {strides = array<i32>} : memref<4x2048xf32, #tpu.memory_space<vmem>>, vector<1x16xf32>,
        %get3A_716 = vector.shape_cast %get3A_715 : vector<1x16xf32> to vector<16xf32>
        %get3A_717 = arith.constant 3 : i32
        %get3A_718 = arith.index_cast %get3A_717 : i32 to index
        %get3A_719 = arith.index_cast %mul3A_701 : i32 to index
        %get3A_720 = tpu.vector_load %arg6[%get3A_718, %get3A_719] {strides = array<i32>} : memref<4x2048xf32, #tpu.memory_space<vmem>>, vector<1x16xf32>,
        %get3A_721 = vector.shape_cast %get3A_720 : vector<1x16xf32> to vector<16xf32>
        %get3A_722 = arith.index_cast %mul3A_701 : i32 to index
        %get3A_723 = tpu.vector_load %arg7[%get3A_722] {strides = array<i32>} : memref<2048xf32, #tpu.memory_space<vmem>>, vector<16xf32>,
        %get3A_724 = vector.shape_cast %get3A_723 : vector<16xf32> to vector<16xf32>
        %mul3A_725 = arith.mulf %get3A_706, %gather3A_113 : vector<16xf32>
        %mul3A_726 = arith.mulf %get3A_711, %gather3A_116 : vector<16xf32>
        %add3A_727 = arith.addf %mul3A_725, %mul3A_726 : vector<16xf32>
        %mul3A_728 = arith.mulf %get3A_716, %gather3A_119 : vector<16xf32>
        %add3A_729 = arith.addf %add3A_727, %mul3A_728 : vector<16xf32>
        %add3A_730 = arith.addf %add3A_729, %get3A_721 : vector<16xf32>
        %min3A_731 = arith.minimumf %min3A_662, %add3A_730 : vector<16xf32>
        %add3A_732 = arith.addf %add3A_730, %gather3A_122 : vector<16xf32>
        %min3A_733 = arith.minimumf %get3A_724, %add3A_732 : vector<16xf32>
        %mul3A_734 = arith.mulf %get3A_706, %gather3A_125 : vector<16xf32>
        %mul3A_735 = arith.mulf %get3A_711, %gather3A_128 : vector<16xf32>
        %add3A_736 = arith.addf %mul3A_734, %mul3A_735 : vector<16xf32>
        %mul3A_737 = arith.mulf %get3A_716, %gather3A_131 : vector<16xf32>
        %add3A_738 = arith.addf %add3A_736, %mul3A_737 : vector<16xf32>
        %add3A_739 = arith.addf %add3A_738, %get3A_721 : vector<16xf32>
        %min3A_740 = arith.minimumf %min3A_671, %add3A_739 : vector<16xf32>
        %add3A_741 = arith.addf %add3A_739, %gather3A_134 : vector<16xf32>
        %min3A_742 = arith.minimumf %min3A_733, %add3A_741 : vector<16xf32>
        %mul3A_743 = arith.mulf %get3A_706, %gather3A_137 : vector<16xf32>
        %mul3A_744 = arith.mulf %get3A_711, %gather3A_140 : vector<16xf32>
        %add3A_745 = arith.addf %mul3A_743, %mul3A_744 : vector<16xf32>
        %mul3A_746 = arith.mulf %get3A_716, %gather3A_143 : vector<16xf32>
        %add3A_747 = arith.addf %add3A_745, %mul3A_746 : vector<16xf32>
        %add3A_748 = arith.addf %add3A_747, %get3A_721 : vector<16xf32>
        %min3A_749 = arith.minimumf %min3A_680, %add3A_748 : vector<16xf32>
        %add3A_750 = arith.addf %add3A_748, %gather3A_146 : vector<16xf32>
        %min3A_751 = arith.minimumf %min3A_742, %add3A_750 : vector<16xf32>
        %mul3A_752 = arith.mulf %get3A_706, %gather3A_149 : vector<16xf32>
        %mul3A_753 = arith.mulf %get3A_711, %gather3A_152 : vector<16xf32>
        %add3A_754 = arith.addf %mul3A_752, %mul3A_753 : vector<16xf32>
        %mul3A_755 = arith.mulf %get3A_716, %gather3A_155 : vector<16xf32>
        %add3A_756 = arith.addf %add3A_754, %mul3A_755 : vector<16xf32>
        %add3A_757 = arith.addf %add3A_756, %get3A_721 : vector<16xf32>
        %min3A_758 = arith.minimumf %min3A_689, %add3A_757 : vector<16xf32>
        %add3A_759 = arith.addf %add3A_757, %gather3A_158 : vector<16xf32>
        %min3A_760 = arith.minimumf %min3A_751, %add3A_759 : vector<16xf32>
        %swap3A_761 = arith.index_cast %mul3A_701 : i32 to index
        %swap3A_762 = tpu.vector_load %arg7[%swap3A_761] {strides = array<i32>} : memref<2048xf32, #tpu.memory_space<vmem>>, vector<16xf32>,
        %swap3A_763 = vector.shape_cast %swap3A_762 : vector<16xf32> to vector<16xf32>
        %swap3A_764 = vector.shape_cast %min3A_760 : vector<16xf32> to vector<16xf32>
        tpu.vector_store %arg7[%swap3A_761], %swap3A_764 {strides = array<i32>} : memref<2048xf32, #tpu.memory_space<vmem>>, vector<16xf32>,
        scf.yield %min3A_731, %min3A_740, %min3A_749, %min3A_758 : vector<16xf32>, vector<16xf32>, vector<16xf32>, vector<16xf32>
      }
      %scan3A_166 = arith.constant 64 : i32
      %broadcast_in_dim3A_167 = vector.shape_cast %xor3A_63 : vector<16xi32> to vector<16x1xi32>
      %gather3A_168 = vector.shape_cast %broadcast_in_dim3A_167 : vector<16x1xi32> to vector<16xi32>
      %gather3A_169 = tpu.dynamic_gather %scan3A_165#0[%gather3A_168] in [0] : vector<16xf32>, vector<16xi32> -> vector<16xf32>
      %min3A = arith.minimumf %scan3A_165#0, %gather3A_169 : vector<16xf32>
      %broadcast_in_dim3A_170 = vector.shape_cast %xor3A_66 : vector<16xi32> to vector<16x1xi32>
      %gather3A_171 = vector.shape_cast %broadcast_in_dim3A_170 : vector<16x1xi32> to vector<16xi32>
      %gather3A_172 = tpu.dynamic_gather %min3A[%gather3A_171] in [0] : vector<16xf32>, vector<16xi32> -> vector<16xf32>
      %min3A_173 = arith.minimumf %min3A, %gather3A_172 : vector<16xf32>
      %broadcast_in_dim3A_174 = vector.shape_cast %xor3A_69 : vector<16xi32> to vector<16x1xi32>
      %gather3A_175 = vector.shape_cast %broadcast_in_dim3A_174 : vector<16x1xi32> to vector<16xi32>
      %gather3A_176 = tpu.dynamic_gather %min3A_173[%gather3A_175] in [0] : vector<16xf32>, vector<16xi32> -> vector<16xf32>
      %min3A_177 = arith.minimumf %min3A_173, %gather3A_176 : vector<16xf32>
      %broadcast_in_dim3A_178 = vector.shape_cast %xor3A_72 : vector<16xi32> to vector<16x1xi32>
      %gather3A_179 = vector.shape_cast %broadcast_in_dim3A_178 : vector<16x1xi32> to vector<16xi32>
      %gather3A_180 = tpu.dynamic_gather %min3A_177[%gather3A_179] in [0] : vector<16xf32>, vector<16xi32> -> vector<16xf32>
      %min3A_181 = arith.minimumf %min3A_177, %gather3A_180 : vector<16xf32>
      %add3A_182 = arith.addf %min3A_181, %gather3A_122 : vector<16xf32>
      %add3A_183 = arith.addf %scan3A_90, %add3A_182 : vector<16xf32>
      %broadcast_in_dim3A_184 = vector.shape_cast %xor3A_63 : vector<16xi32> to vector<16x1xi32>
      %gather3A_185 = vector.shape_cast %broadcast_in_dim3A_184 : vector<16x1xi32> to vector<16xi32>
      %gather3A_186 = tpu.dynamic_gather %scan3A_165#1[%gather3A_185] in [0] : vector<16xf32>, vector<16xi32> -> vector<16xf32>
      %min3A_187 = arith.minimumf %scan3A_165#1, %gather3A_186 : vector<16xf32>
      %broadcast_in_dim3A_188 = vector.shape_cast %xor3A_66 : vector<16xi32> to vector<16x1xi32>
      %gather3A_189 = vector.shape_cast %broadcast_in_dim3A_188 : vector<16x1xi32> to vector<16xi32>
      %gather3A_190 = tpu.dynamic_gather %min3A_187[%gather3A_189] in [0] : vector<16xf32>, vector<16xi32> -> vector<16xf32>
      %min3A_191 = arith.minimumf %min3A_187, %gather3A_190 : vector<16xf32>
      %broadcast_in_dim3A_192 = vector.shape_cast %xor3A_69 : vector<16xi32> to vector<16x1xi32>
      %gather3A_193 = vector.shape_cast %broadcast_in_dim3A_192 : vector<16x1xi32> to vector<16xi32>
      %gather3A_194 = tpu.dynamic_gather %min3A_191[%gather3A_193] in [0] : vector<16xf32>, vector<16xi32> -> vector<16xf32>
      %min3A_195 = arith.minimumf %min3A_191, %gather3A_194 : vector<16xf32>
      %broadcast_in_dim3A_196 = vector.shape_cast %xor3A_72 : vector<16xi32> to vector<16x1xi32>
      %gather3A_197 = vector.shape_cast %broadcast_in_dim3A_196 : vector<16x1xi32> to vector<16xi32>
      %gather3A_198 = tpu.dynamic_gather %min3A_195[%gather3A_197] in [0] : vector<16xf32>, vector<16xi32> -> vector<16xf32>
      %min3A_199 = arith.minimumf %min3A_195, %gather3A_198 : vector<16xf32>
      %add3A_200 = arith.addf %min3A_199, %gather3A_134 : vector<16xf32>
      %add3A_201 = arith.addf %add3A_183, %add3A_200 : vector<16xf32>
      %broadcast_in_dim3A_202 = vector.shape_cast %xor3A_63 : vector<16xi32> to vector<16x1xi32>
      %gather3A_203 = vector.shape_cast %broadcast_in_dim3A_202 : vector<16x1xi32> to vector<16xi32>
      %gather3A_204 = tpu.dynamic_gather %scan3A_165#2[%gather3A_203] in [0] : vector<16xf32>, vector<16xi32> -> vector<16xf32>
      %min3A_205 = arith.minimumf %scan3A_165#2, %gather3A_204 : vector<16xf32>
      %broadcast_in_dim3A_206 = vector.shape_cast %xor3A_66 : vector<16xi32> to vector<16x1xi32>
      %gather3A_207 = vector.shape_cast %broadcast_in_dim3A_206 : vector<16x1xi32> to vector<16xi32>
      %gather3A_208 = tpu.dynamic_gather %min3A_205[%gather3A_207] in [0] : vector<16xf32>, vector<16xi32> -> vector<16xf32>
      %min3A_209 = arith.minimumf %min3A_205, %gather3A_208 : vector<16xf32>
      %broadcast_in_dim3A_210 = vector.shape_cast %xor3A_69 : vector<16xi32> to vector<16x1xi32>
      %gather3A_211 = vector.shape_cast %broadcast_in_dim3A_210 : vector<16x1xi32> to vector<16xi32>
      %gather3A_212 = tpu.dynamic_gather %min3A_209[%gather3A_211] in [0] : vector<16xf32>, vector<16xi32> -> vector<16xf32>
      %min3A_213 = arith.minimumf %min3A_209, %gather3A_212 : vector<16xf32>
      %broadcast_in_dim3A_214 = vector.shape_cast %xor3A_72 : vector<16xi32> to vector<16x1xi32>
      %gather3A_215 = vector.shape_cast %broadcast_in_dim3A_214 : vector<16x1xi32> to vector<16xi32>
      %gather3A_216 = tpu.dynamic_gather %min3A_213[%gather3A_215] in [0] : vector<16xf32>, vector<16xi32> -> vector<16xf32>
      %min3A_217 = arith.minimumf %min3A_213, %gather3A_216 : vector<16xf32>
      %add3A_218 = arith.addf %min3A_217, %gather3A_146 : vector<16xf32>
      %add3A_219 = arith.addf %add3A_201, %add3A_218 : vector<16xf32>
      %broadcast_in_dim3A_220 = vector.shape_cast %xor3A_63 : vector<16xi32> to vector<16x1xi32>
      %gather3A_221 = vector.shape_cast %broadcast_in_dim3A_220 : vector<16x1xi32> to vector<16xi32>
      %gather3A_222 = tpu.dynamic_gather %scan3A_165#3[%gather3A_221] in [0] : vector<16xf32>, vector<16xi32> -> vector<16xf32>
      %min3A_223 = arith.minimumf %scan3A_165#3, %gather3A_222 : vector<16xf32>
      %broadcast_in_dim3A_224 = vector.shape_cast %xor3A_66 : vector<16xi32> to vector<16x1xi32>
      %gather3A_225 = vector.shape_cast %broadcast_in_dim3A_224 : vector<16x1xi32> to vector<16xi32>
      %gather3A_226 = tpu.dynamic_gather %min3A_223[%gather3A_225] in [0] : vector<16xf32>, vector<16xi32> -> vector<16xf32>
      %min3A_227 = arith.minimumf %min3A_223, %gather3A_226 : vector<16xf32>
      %broadcast_in_dim3A_228 = vector.shape_cast %xor3A_69 : vector<16xi32> to vector<16x1xi32>
      %gather3A_229 = vector.shape_cast %broadcast_in_dim3A_228 : vector<16x1xi32> to vector<16xi32>
      %gather3A_230 = tpu.dynamic_gather %min3A_227[%gather3A_229] in [0] : vector<16xf32>, vector<16xi32> -> vector<16xf32>
      %min3A_231 = arith.minimumf %min3A_227, %gather3A_230 : vector<16xf32>
      %broadcast_in_dim3A_232 = vector.shape_cast %xor3A_72 : vector<16xi32> to vector<16x1xi32>
      %gather3A_233 = vector.shape_cast %broadcast_in_dim3A_232 : vector<16x1xi32> to vector<16xi32>
      %gather3A_234 = tpu.dynamic_gather %min3A_231[%gather3A_233] in [0] : vector<16xf32>, vector<16xi32> -> vector<16xf32>
      %min3A_235 = arith.minimumf %min3A_231, %gather3A_234 : vector<16xf32>
      %add3A_236 = arith.addf %min3A_235, %gather3A_158 : vector<16xf32>
      %add3A_237 = arith.addf %add3A_219, %add3A_236 : vector<16xf32>
      %broadcast_in_dim3A_238 = vector.shape_cast %broadcast_in_dim3A_39 : vector<16xi32> to vector<16x1xi32>
      %gather3A_239 = vector.shape_cast %broadcast_in_dim3A_238 : vector<16x1xi32> to vector<16xi32>
      %gather3A_240 = tpu.dynamic_gather %get3A_96[%gather3A_239] in [0] : vector<16xf32>, vector<16xi32> -> vector<16xf32>
      %broadcast_in_dim3A_241 = vector.shape_cast %broadcast_in_dim3A_39 : vector<16xi32> to vector<16x1xi32>
      %gather3A_242 = vector.shape_cast %broadcast_in_dim3A_241 : vector<16x1xi32> to vector<16xi32>
      %gather3A_243 = tpu.dynamic_gather %get3A_101[%gather3A_242] in [0] : vector<16xf32>, vector<16xi32> -> vector<16xf32>
      %broadcast_in_dim3A_244 = vector.shape_cast %broadcast_in_dim3A_39 : vector<16xi32> to vector<16x1xi32>
      %gather3A_245 = vector.shape_cast %broadcast_in_dim3A_244 : vector<16x1xi32> to vector<16xi32>
      %gather3A_246 = tpu.dynamic_gather %get3A_106[%gather3A_245] in [0] : vector<16xf32>, vector<16xi32> -> vector<16xf32>
      %broadcast_in_dim3A_247 = vector.shape_cast %broadcast_in_dim3A_39 : vector<16xi32> to vector<16x1xi32>
      %gather3A_248 = vector.shape_cast %broadcast_in_dim3A_247 : vector<16x1xi32> to vector<16xi32>
      %gather3A_249 = tpu.dynamic_gather %get3A_111[%gather3A_248] in [0] : vector<16xf32>, vector<16xi32> -> vector<16xf32>
      %broadcast_in_dim3A_250 = vector.shape_cast %broadcast_in_dim3A_41 : vector<16xi32> to vector<16x1xi32>
      %gather3A_251 = vector.shape_cast %broadcast_in_dim3A_250 : vector<16x1xi32> to vector<16xi32>
      %gather3A_252 = tpu.dynamic_gather %get3A_96[%gather3A_251] in [0] : vector<16xf32>, vector<16xi32> -> vector<16xf32>
      %broadcast_in_dim3A_253 = vector.shape_cast %broadcast_in_dim3A_41 : vector<16xi32> to vector<16x1xi32>
      %gather3A_254 = vector.shape_cast %broadcast_in_dim3A_253 : vector<16x1xi32> to vector<16xi32>
      %gather3A_255 = tpu.dynamic_gather %get3A_101[%gather3A_254] in [0] : vector<16xf32>, vector<16xi32> -> vector<16xf32>
      %broadcast_in_dim3A_256 = vector.shape_cast %broadcast_in_dim3A_41 : vector<16xi32> to vector<16x1xi32>
      %gather3A_257 = vector.shape_cast %broadcast_in_dim3A_256 : vector<16x1xi32> to vector<16xi32>
      %gather3A_258 = tpu.dynamic_gather %get3A_106[%gather3A_257] in [0] : vector<16xf32>, vector<16xi32> -> vector<16xf32>
      %broadcast_in_dim3A_259 = vector.shape_cast %broadcast_in_dim3A_41 : vector<16xi32> to vector<16x1xi32>
      %gather3A_260 = vector.shape_cast %broadcast_in_dim3A_259 : vector<16x1xi32> to vector<16xi32>
      %gather3A_261 = tpu.dynamic_gather %get3A_111[%gather3A_260] in [0] : vector<16xf32>, vector<16xi32> -> vector<16xf32>
      %broadcast_in_dim3A_262 = vector.shape_cast %broadcast_in_dim3A_43 : vector<16xi32> to vector<16x1xi32>
      %gather3A_263 = vector.shape_cast %broadcast_in_dim3A_262 : vector<16x1xi32> to vector<16xi32>
      %gather3A_264 = tpu.dynamic_gather %get3A_96[%gather3A_263] in [0] : vector<16xf32>, vector<16xi32> -> vector<16xf32>
      %broadcast_in_dim3A_265 = vector.shape_cast %broadcast_in_dim3A_43 : vector<16xi32> to vector<16x1xi32>
      %gather3A_266 = vector.shape_cast %broadcast_in_dim3A_265 : vector<16x1xi32> to vector<16xi32>
      %gather3A_267 = tpu.dynamic_gather %get3A_101[%gather3A_266] in [0] : vector<16xf32>, vector<16xi32> -> vector<16xf32>
      %broadcast_in_dim3A_268 = vector.shape_cast %broadcast_in_dim3A_43 : vector<16xi32> to vector<16x1xi32>
      %gather3A_269 = vector.shape_cast %broadcast_in_dim3A_268 : vector<16x1xi32> to vector<16xi32>
      %gather3A_270 = tpu.dynamic_gather %get3A_106[%gather3A_269] in [0] : vector<16xf32>, vector<16xi32> -> vector<16xf32>
      %broadcast_in_dim3A_271 = vector.shape_cast %broadcast_in_dim3A_43 : vector<16xi32> to vector<16x1xi32>
      %gather3A_272 = vector.shape_cast %broadcast_in_dim3A_271 : vector<16x1xi32> to vector<16xi32>
      %gather3A_273 = tpu.dynamic_gather %get3A_111[%gather3A_272] in [0] : vector<16xf32>, vector<16xi32> -> vector<16xf32>
      %broadcast_in_dim3A_274 = vector.shape_cast %broadcast_in_dim3A_45 : vector<16xi32> to vector<16x1xi32>
      %gather3A_275 = vector.shape_cast %broadcast_in_dim3A_274 : vector<16x1xi32> to vector<16xi32>
      %gather3A_276 = tpu.dynamic_gather %get3A_96[%gather3A_275] in [0] : vector<16xf32>, vector<16xi32> -> vector<16xf32>
      %broadcast_in_dim3A_277 = vector.shape_cast %broadcast_in_dim3A_45 : vector<16xi32> to vector<16x1xi32>
      %gather3A_278 = vector.shape_cast %broadcast_in_dim3A_277 : vector<16x1xi32> to vector<16xi32>
      %gather3A_279 = tpu.dynamic_gather %get3A_101[%gather3A_278] in [0] : vector<16xf32>, vector<16xi32> -> vector<16xf32>
      %broadcast_in_dim3A_280 = vector.shape_cast %broadcast_in_dim3A_45 : vector<16xi32> to vector<16x1xi32>
      %gather3A_281 = vector.shape_cast %broadcast_in_dim3A_280 : vector<16x1xi32> to vector<16xi32>
      %gather3A_282 = tpu.dynamic_gather %get3A_106[%gather3A_281] in [0] : vector<16xf32>, vector<16xi32> -> vector<16xf32>
      %broadcast_in_dim3A_283 = vector.shape_cast %broadcast_in_dim3A_45 : vector<16xi32> to vector<16x1xi32>
      %gather3A_284 = vector.shape_cast %broadcast_in_dim3A_283 : vector<16x1xi32> to vector<16xi32>
      %gather3A_285 = tpu.dynamic_gather %get3A_111[%gather3A_284] in [0] : vector<16xf32>, vector<16xi32> -> vector<16xf32>
      %broadcast_in_dim3A_286 = arith.constant 3.000000e+38 : f32
      %broadcast_in_dim3A_287 = vector.broadcast %broadcast_in_dim3A_286 : f32 to vector<16xf32>
      %scan3A_288 = arith.constant 0 : i32
      %scan3A_289 = arith.constant 64 : i32
      %scan3A_290 = arith.addi %scan3A_288, %scan3A_289 : i32
      %scan3A_291 = arith.constant 1 : i32
      %scan3A_292:4 = scf.for %scan3A_622 = %scan3A_288 to %scan3A_290 step %scan3A_291 iter_args(%scan3A_623 = %broadcast_in_dim3A_287, %scan3A_624 = %broadcast_in_dim3A_287, %scan3A_625 = %broadcast_in_dim3A_287, %scan3A_626 = %broadcast_in_dim3A_287) -> (vector<16xf32>, vector<16xf32>, vector<16xf32>, vector<16xf32>)  : i32 {
        %mul3A_627 = arith.constant 2 : i32
        %mul3A_628 = arith.muli %scan3A_622, %mul3A_627 : i32
        %add3A_629 = arith.constant 0 : i32
        %add3A_630 = arith.addi %mul3A_628, %add3A_629 : i32
        %mul3A_631 = arith.constant 16 : i32
        %mul3A_632 = arith.muli %add3A_630, %mul3A_631 : i32
        %get3A_633 = arith.constant 0 : i32
        %get3A_634 = arith.index_cast %get3A_633 : i32 to index
        %get3A_635 = arith.index_cast %mul3A_632 : i32 to index
        %get3A_636 = tpu.vector_load %arg6[%get3A_634, %get3A_635] {strides = array<i32>} : memref<4x2048xf32, #tpu.memory_space<vmem>>, vector<1x16xf32>,
        %get3A_637 = vector.shape_cast %get3A_636 : vector<1x16xf32> to vector<16xf32>
        %get3A_638 = arith.constant 1 : i32
        %get3A_639 = arith.index_cast %get3A_638 : i32 to index
        %get3A_640 = arith.index_cast %mul3A_632 : i32 to index
        %get3A_641 = tpu.vector_load %arg6[%get3A_639, %get3A_640] {strides = array<i32>} : memref<4x2048xf32, #tpu.memory_space<vmem>>, vector<1x16xf32>,
        %get3A_642 = vector.shape_cast %get3A_641 : vector<1x16xf32> to vector<16xf32>
        %get3A_643 = arith.constant 2 : i32
        %get3A_644 = arith.index_cast %get3A_643 : i32 to index
        %get3A_645 = arith.index_cast %mul3A_632 : i32 to index
        %get3A_646 = tpu.vector_load %arg6[%get3A_644, %get3A_645] {strides = array<i32>} : memref<4x2048xf32, #tpu.memory_space<vmem>>, vector<1x16xf32>,
        %get3A_647 = vector.shape_cast %get3A_646 : vector<1x16xf32> to vector<16xf32>
        %get3A_648 = arith.constant 3 : i32
        %get3A_649 = arith.index_cast %get3A_648 : i32 to index
        %get3A_650 = arith.index_cast %mul3A_632 : i32 to index
        %get3A_651 = tpu.vector_load %arg6[%get3A_649, %get3A_650] {strides = array<i32>} : memref<4x2048xf32, #tpu.memory_space<vmem>>, vector<1x16xf32>,
        %get3A_652 = vector.shape_cast %get3A_651 : vector<1x16xf32> to vector<16xf32>
        %get3A_653 = arith.index_cast %mul3A_632 : i32 to index
        %get3A_654 = tpu.vector_load %arg7[%get3A_653] {strides = array<i32>} : memref<2048xf32, #tpu.memory_space<vmem>>, vector<16xf32>,
        %get3A_655 = vector.shape_cast %get3A_654 : vector<16xf32> to vector<16xf32>
        %mul3A_656 = arith.mulf %get3A_637, %gather3A_240 : vector<16xf32>
        %mul3A_657 = arith.mulf %get3A_642, %gather3A_243 : vector<16xf32>
        %add3A_658 = arith.addf %mul3A_656, %mul3A_657 : vector<16xf32>
        %mul3A_659 = arith.mulf %get3A_647, %gather3A_246 : vector<16xf32>
        %add3A_660 = arith.addf %add3A_658, %mul3A_659 : vector<16xf32>
        %add3A_661 = arith.addf %add3A_660, %get3A_652 : vector<16xf32>
        %min3A_662 = arith.minimumf %scan3A_623, %add3A_661 : vector<16xf32>
        %add3A_663 = arith.addf %add3A_661, %gather3A_249 : vector<16xf32>
        %min3A_664 = arith.minimumf %get3A_655, %add3A_663 : vector<16xf32>
        %mul3A_665 = arith.mulf %get3A_637, %gather3A_252 : vector<16xf32>
        %mul3A_666 = arith.mulf %get3A_642, %gather3A_255 : vector<16xf32>
        %add3A_667 = arith.addf %mul3A_665, %mul3A_666 : vector<16xf32>
        %mul3A_668 = arith.mulf %get3A_647, %gather3A_258 : vector<16xf32>
        %add3A_669 = arith.addf %add3A_667, %mul3A_668 : vector<16xf32>
        %add3A_670 = arith.addf %add3A_669, %get3A_652 : vector<16xf32>
        %min3A_671 = arith.minimumf %scan3A_624, %add3A_670 : vector<16xf32>
        %add3A_672 = arith.addf %add3A_670, %gather3A_261 : vector<16xf32>
        %min3A_673 = arith.minimumf %min3A_664, %add3A_672 : vector<16xf32>
        %mul3A_674 = arith.mulf %get3A_637, %gather3A_264 : vector<16xf32>
        %mul3A_675 = arith.mulf %get3A_642, %gather3A_267 : vector<16xf32>
        %add3A_676 = arith.addf %mul3A_674, %mul3A_675 : vector<16xf32>
        %mul3A_677 = arith.mulf %get3A_647, %gather3A_270 : vector<16xf32>
        %add3A_678 = arith.addf %add3A_676, %mul3A_677 : vector<16xf32>
        %add3A_679 = arith.addf %add3A_678, %get3A_652 : vector<16xf32>
        %min3A_680 = arith.minimumf %scan3A_625, %add3A_679 : vector<16xf32>
        %add3A_681 = arith.addf %add3A_679, %gather3A_273 : vector<16xf32>
        %min3A_682 = arith.minimumf %min3A_673, %add3A_681 : vector<16xf32>
        %mul3A_683 = arith.mulf %get3A_637, %gather3A_276 : vector<16xf32>
        %mul3A_684 = arith.mulf %get3A_642, %gather3A_279 : vector<16xf32>
        %add3A_685 = arith.addf %mul3A_683, %mul3A_684 : vector<16xf32>
        %mul3A_686 = arith.mulf %get3A_647, %gather3A_282 : vector<16xf32>
        %add3A_687 = arith.addf %add3A_685, %mul3A_686 : vector<16xf32>
        %add3A_688 = arith.addf %add3A_687, %get3A_652 : vector<16xf32>
        %min3A_689 = arith.minimumf %scan3A_626, %add3A_688 : vector<16xf32>
        %add3A_690 = arith.addf %add3A_688, %gather3A_285 : vector<16xf32>
        %min3A_691 = arith.minimumf %min3A_682, %add3A_690 : vector<16xf32>
        %swap3A_692 = arith.index_cast %mul3A_632 : i32 to index
        %swap3A_693 = tpu.vector_load %arg7[%swap3A_692] {strides = array<i32>} : memref<2048xf32, #tpu.memory_space<vmem>>, vector<16xf32>,
        %swap3A_694 = vector.shape_cast %swap3A_693 : vector<16xf32> to vector<16xf32>
        %swap3A_695 = vector.shape_cast %min3A_691 : vector<16xf32> to vector<16xf32>
        tpu.vector_store %arg7[%swap3A_692], %swap3A_695 {strides = array<i32>} : memref<2048xf32, #tpu.memory_space<vmem>>, vector<16xf32>,
        %mul3A_696 = arith.constant 2 : i32
        %mul3A_697 = arith.muli %scan3A_622, %mul3A_696 : i32
        %add3A_698 = arith.constant 1 : i32
        %add3A_699 = arith.addi %mul3A_697, %add3A_698 : i32
        %mul3A_700 = arith.constant 16 : i32
        %mul3A_701 = arith.muli %add3A_699, %mul3A_700 : i32
        %get3A_702 = arith.constant 0 : i32
        %get3A_703 = arith.index_cast %get3A_702 : i32 to index
        %get3A_704 = arith.index_cast %mul3A_701 : i32 to index
        %get3A_705 = tpu.vector_load %arg6[%get3A_703, %get3A_704] {strides = array<i32>} : memref<4x2048xf32, #tpu.memory_space<vmem>>, vector<1x16xf32>,
        %get3A_706 = vector.shape_cast %get3A_705 : vector<1x16xf32> to vector<16xf32>
        %get3A_707 = arith.constant 1 : i32
        %get3A_708 = arith.index_cast %get3A_707 : i32 to index
        %get3A_709 = arith.index_cast %mul3A_701 : i32 to index
        %get3A_710 = tpu.vector_load %arg6[%get3A_708, %get3A_709] {strides = array<i32>} : memref<4x2048xf32, #tpu.memory_space<vmem>>, vector<1x16xf32>,
        %get3A_711 = vector.shape_cast %get3A_710 : vector<1x16xf32> to vector<16xf32>
        %get3A_712 = arith.constant 2 : i32
        %get3A_713 = arith.index_cast %get3A_712 : i32 to index
        %get3A_714 = arith.index_cast %mul3A_701 : i32 to index
        %get3A_715 = tpu.vector_load %arg6[%get3A_713, %get3A_714] {strides = array<i32>} : memref<4x2048xf32, #tpu.memory_space<vmem>>, vector<1x16xf32>,
        %get3A_716 = vector.shape_cast %get3A_715 : vector<1x16xf32> to vector<16xf32>
        %get3A_717 = arith.constant 3 : i32
        %get3A_718 = arith.index_cast %get3A_717 : i32 to index
        %get3A_719 = arith.index_cast %mul3A_701 : i32 to index
        %get3A_720 = tpu.vector_load %arg6[%get3A_718, %get3A_719] {strides = array<i32>} : memref<4x2048xf32, #tpu.memory_space<vmem>>, vector<1x16xf32>,
        %get3A_721 = vector.shape_cast %get3A_720 : vector<1x16xf32> to vector<16xf32>
        %get3A_722 = arith.index_cast %mul3A_701 : i32 to index
        %get3A_723 = tpu.vector_load %arg7[%get3A_722] {strides = array<i32>} : memref<2048xf32, #tpu.memory_space<vmem>>, vector<16xf32>,
        %get3A_724 = vector.shape_cast %get3A_723 : vector<16xf32> to vector<16xf32>
        %mul3A_725 = arith.mulf %get3A_706, %gather3A_240 : vector<16xf32>
        %mul3A_726 = arith.mulf %get3A_711, %gather3A_243 : vector<16xf32>
        %add3A_727 = arith.addf %mul3A_725, %mul3A_726 : vector<16xf32>
        %mul3A_728 = arith.mulf %get3A_716, %gather3A_246 : vector<16xf32>
        %add3A_729 = arith.addf %add3A_727, %mul3A_728 : vector<16xf32>
        %add3A_730 = arith.addf %add3A_729, %get3A_721 : vector<16xf32>
        %min3A_731 = arith.minimumf %min3A_662, %add3A_730 : vector<16xf32>
        %add3A_732 = arith.addf %add3A_730, %gather3A_249 : vector<16xf32>
        %min3A_733 = arith.minimumf %get3A_724, %add3A_732 : vector<16xf32>
        %mul3A_734 = arith.mulf %get3A_706, %gather3A_252 : vector<16xf32>
        %mul3A_735 = arith.mulf %get3A_711, %gather3A_255 : vector<16xf32>
        %add3A_736 = arith.addf %mul3A_734, %mul3A_735 : vector<16xf32>
        %mul3A_737 = arith.mulf %get3A_716, %gather3A_258 : vector<16xf32>
        %add3A_738 = arith.addf %add3A_736, %mul3A_737 : vector<16xf32>
        %add3A_739 = arith.addf %add3A_738, %get3A_721 : vector<16xf32>
        %min3A_740 = arith.minimumf %min3A_671, %add3A_739 : vector<16xf32>
        %add3A_741 = arith.addf %add3A_739, %gather3A_261 : vector<16xf32>
        %min3A_742 = arith.minimumf %min3A_733, %add3A_741 : vector<16xf32>
        %mul3A_743 = arith.mulf %get3A_706, %gather3A_264 : vector<16xf32>
        %mul3A_744 = arith.mulf %get3A_711, %gather3A_267 : vector<16xf32>
        %add3A_745 = arith.addf %mul3A_743, %mul3A_744 : vector<16xf32>
        %mul3A_746 = arith.mulf %get3A_716, %gather3A_270 : vector<16xf32>
        %add3A_747 = arith.addf %add3A_745, %mul3A_746 : vector<16xf32>
        %add3A_748 = arith.addf %add3A_747, %get3A_721 : vector<16xf32>
        %min3A_749 = arith.minimumf %min3A_680, %add3A_748 : vector<16xf32>
        %add3A_750 = arith.addf %add3A_748, %gather3A_273 : vector<16xf32>
        %min3A_751 = arith.minimumf %min3A_742, %add3A_750 : vector<16xf32>
        %mul3A_752 = arith.mulf %get3A_706, %gather3A_276 : vector<16xf32>
        %mul3A_753 = arith.mulf %get3A_711, %gather3A_279 : vector<16xf32>
        %add3A_754 = arith.addf %mul3A_752, %mul3A_753 : vector<16xf32>
        %mul3A_755 = arith.mulf %get3A_716, %gather3A_282 : vector<16xf32>
        %add3A_756 = arith.addf %add3A_754, %mul3A_755 : vector<16xf32>
        %add3A_757 = arith.addf %add3A_756, %get3A_721 : vector<16xf32>
        %min3A_758 = arith.minimumf %min3A_689, %add3A_757 : vector<16xf32>
        %add3A_759 = arith.addf %add3A_757, %gather3A_285 : vector<16xf32>
        %min3A_760 = arith.minimumf %min3A_751, %add3A_759 : vector<16xf32>
        %swap3A_761 = arith.index_cast %mul3A_701 : i32 to index
        %swap3A_762 = tpu.vector_load %arg7[%swap3A_761] {strides = array<i32>} : memref<2048xf32, #tpu.memory_space<vmem>>, vector<16xf32>,
        %swap3A_763 = vector.shape_cast %swap3A_762 : vector<16xf32> to vector<16xf32>
        %swap3A_764 = vector.shape_cast %min3A_760 : vector<16xf32> to vector<16xf32>
        tpu.vector_store %arg7[%swap3A_761], %swap3A_764 {strides = array<i32>} : memref<2048xf32, #tpu.memory_space<vmem>>, vector<16xf32>,
        scf.yield %min3A_731, %min3A_740, %min3A_749, %min3A_758 : vector<16xf32>, vector<16xf32>, vector<16xf32>, vector<16xf32>
      }
      %scan3A_293 = arith.constant 64 : i32
      %broadcast_in_dim3A_294 = vector.shape_cast %xor3A_63 : vector<16xi32> to vector<16x1xi32>
      %gather3A_295 = vector.shape_cast %broadcast_in_dim3A_294 : vector<16x1xi32> to vector<16xi32>
      %gather3A_296 = tpu.dynamic_gather %scan3A_292#0[%gather3A_295] in [0] : vector<16xf32>, vector<16xi32> -> vector<16xf32>
      %min3A_297 = arith.minimumf %scan3A_292#0, %gather3A_296 : vector<16xf32>
      %broadcast_in_dim3A_298 = vector.shape_cast %xor3A_66 : vector<16xi32> to vector<16x1xi32>
      %gather3A_299 = vector.shape_cast %broadcast_in_dim3A_298 : vector<16x1xi32> to vector<16xi32>
      %gather3A_300 = tpu.dynamic_gather %min3A_297[%gather3A_299] in [0] : vector<16xf32>, vector<16xi32> -> vector<16xf32>
      %min3A_301 = arith.minimumf %min3A_297, %gather3A_300 : vector<16xf32>
      %broadcast_in_dim3A_302 = vector.shape_cast %xor3A_69 : vector<16xi32> to vector<16x1xi32>
      %gather3A_303 = vector.shape_cast %broadcast_in_dim3A_302 : vector<16x1xi32> to vector<16xi32>
      %gather3A_304 = tpu.dynamic_gather %min3A_301[%gather3A_303] in [0] : vector<16xf32>, vector<16xi32> -> vector<16xf32>
      %min3A_305 = arith.minimumf %min3A_301, %gather3A_304 : vector<16xf32>
      %broadcast_in_dim3A_306 = vector.shape_cast %xor3A_72 : vector<16xi32> to vector<16x1xi32>
      %gather3A_307 = vector.shape_cast %broadcast_in_dim3A_306 : vector<16x1xi32> to vector<16xi32>
      %gather3A_308 = tpu.dynamic_gather %min3A_305[%gather3A_307] in [0] : vector<16xf32>, vector<16xi32> -> vector<16xf32>
      %min3A_309 = arith.minimumf %min3A_305, %gather3A_308 : vector<16xf32>
      %add3A_310 = arith.addf %min3A_309, %gather3A_249 : vector<16xf32>
      %add3A_311 = arith.addf %add3A_237, %add3A_310 : vector<16xf32>
      %broadcast_in_dim3A_312 = vector.shape_cast %xor3A_63 : vector<16xi32> to vector<16x1xi32>
      %gather3A_313 = vector.shape_cast %broadcast_in_dim3A_312 : vector<16x1xi32> to vector<16xi32>
      %gather3A_314 = tpu.dynamic_gather %scan3A_292#1[%gather3A_313] in [0] : vector<16xf32>, vector<16xi32> -> vector<16xf32>
      %min3A_315 = arith.minimumf %scan3A_292#1, %gather3A_314 : vector<16xf32>
      %broadcast_in_dim3A_316 = vector.shape_cast %xor3A_66 : vector<16xi32> to vector<16x1xi32>
      %gather3A_317 = vector.shape_cast %broadcast_in_dim3A_316 : vector<16x1xi32> to vector<16xi32>
      %gather3A_318 = tpu.dynamic_gather %min3A_315[%gather3A_317] in [0] : vector<16xf32>, vector<16xi32> -> vector<16xf32>
      %min3A_319 = arith.minimumf %min3A_315, %gather3A_318 : vector<16xf32>
      %broadcast_in_dim3A_320 = vector.shape_cast %xor3A_69 : vector<16xi32> to vector<16x1xi32>
      %gather3A_321 = vector.shape_cast %broadcast_in_dim3A_320 : vector<16x1xi32> to vector<16xi32>
      %gather3A_322 = tpu.dynamic_gather %min3A_319[%gather3A_321] in [0] : vector<16xf32>, vector<16xi32> -> vector<16xf32>
      %min3A_323 = arith.minimumf %min3A_319, %gather3A_322 : vector<16xf32>
      %broadcast_in_dim3A_324 = vector.shape_cast %xor3A_72 : vector<16xi32> to vector<16x1xi32>
      %gather3A_325 = vector.shape_cast %broadcast_in_dim3A_324 : vector<16x1xi32> to vector<16xi32>
      %gather3A_326 = tpu.dynamic_gather %min3A_323[%gather3A_325] in [0] : vector<16xf32>, vector<16xi32> -> vector<16xf32>
      %min3A_327 = arith.minimumf %min3A_323, %gather3A_326 : vector<16xf32>
      %add3A_328 = arith.addf %min3A_327, %gather3A_261 : vector<16xf32>
      %add3A_329 = arith.addf %add3A_311, %add3A_328 : vector<16xf32>
      %broadcast_in_dim3A_330 = vector.shape_cast %xor3A_63 : vector<16xi32> to vector<16x1xi32>
      %gather3A_331 = vector.shape_cast %broadcast_in_dim3A_330 : vector<16x1xi32> to vector<16xi32>
      %gather3A_332 = tpu.dynamic_gather %scan3A_292#2[%gather3A_331] in [0] : vector<16xf32>, vector<16xi32> -> vector<16xf32>
      %min3A_333 = arith.minimumf %scan3A_292#2, %gather3A_332 : vector<16xf32>
      %broadcast_in_dim3A_334 = vector.shape_cast %xor3A_66 : vector<16xi32> to vector<16x1xi32>
      %gather3A_335 = vector.shape_cast %broadcast_in_dim3A_334 : vector<16x1xi32> to vector<16xi32>
      %gather3A_336 = tpu.dynamic_gather %min3A_333[%gather3A_335] in [0] : vector<16xf32>, vector<16xi32> -> vector<16xf32>
      %min3A_337 = arith.minimumf %min3A_333, %gather3A_336 : vector<16xf32>
      %broadcast_in_dim3A_338 = vector.shape_cast %xor3A_69 : vector<16xi32> to vector<16x1xi32>
      %gather3A_339 = vector.shape_cast %broadcast_in_dim3A_338 : vector<16x1xi32> to vector<16xi32>
      %gather3A_340 = tpu.dynamic_gather %min3A_337[%gather3A_339] in [0] : vector<16xf32>, vector<16xi32> -> vector<16xf32>
      %min3A_341 = arith.minimumf %min3A_337, %gather3A_340 : vector<16xf32>
      %broadcast_in_dim3A_342 = vector.shape_cast %xor3A_72 : vector<16xi32> to vector<16x1xi32>
      %gather3A_343 = vector.shape_cast %broadcast_in_dim3A_342 : vector<16x1xi32> to vector<16xi32>
      %gather3A_344 = tpu.dynamic_gather %min3A_341[%gather3A_343] in [0] : vector<16xf32>, vector<16xi32> -> vector<16xf32>
      %min3A_345 = arith.minimumf %min3A_341, %gather3A_344 : vector<16xf32>
      %add3A_346 = arith.addf %min3A_345, %gather3A_273 : vector<16xf32>
      %add3A_347 = arith.addf %add3A_329, %add3A_346 : vector<16xf32>
      %broadcast_in_dim3A_348 = vector.shape_cast %xor3A_63 : vector<16xi32> to vector<16x1xi32>
      %gather3A_349 = vector.shape_cast %broadcast_in_dim3A_348 : vector<16x1xi32> to vector<16xi32>
      %gather3A_350 = tpu.dynamic_gather %scan3A_292#3[%gather3A_349] in [0] : vector<16xf32>, vector<16xi32> -> vector<16xf32>
      %min3A_351 = arith.minimumf %scan3A_292#3, %gather3A_350 : vector<16xf32>
      %broadcast_in_dim3A_352 = vector.shape_cast %xor3A_66 : vector<16xi32> to vector<16x1xi32>
      %gather3A_353 = vector.shape_cast %broadcast_in_dim3A_352 : vector<16x1xi32> to vector<16xi32>
      %gather3A_354 = tpu.dynamic_gather %min3A_351[%gather3A_353] in [0] : vector<16xf32>, vector<16xi32> -> vector<16xf32>
      %min3A_355 = arith.minimumf %min3A_351, %gather3A_354 : vector<16xf32>
      %broadcast_in_dim3A_356 = vector.shape_cast %xor3A_69 : vector<16xi32> to vector<16x1xi32>
      %gather3A_357 = vector.shape_cast %broadcast_in_dim3A_356 : vector<16x1xi32> to vector<16xi32>
      %gather3A_358 = tpu.dynamic_gather %min3A_355[%gather3A_357] in [0] : vector<16xf32>, vector<16xi32> -> vector<16xf32>
      %min3A_359 = arith.minimumf %min3A_355, %gather3A_358 : vector<16xf32>
      %broadcast_in_dim3A_360 = vector.shape_cast %xor3A_72 : vector<16xi32> to vector<16x1xi32>
      %gather3A_361 = vector.shape_cast %broadcast_in_dim3A_360 : vector<16x1xi32> to vector<16xi32>
      %gather3A_362 = tpu.dynamic_gather %min3A_359[%gather3A_361] in [0] : vector<16xf32>, vector<16xi32> -> vector<16xf32>
      %min3A_363 = arith.minimumf %min3A_359, %gather3A_362 : vector<16xf32>
      %add3A_364 = arith.addf %min3A_363, %gather3A_285 : vector<16xf32>
      %add3A_365 = arith.addf %add3A_347, %add3A_364 : vector<16xf32>
      %broadcast_in_dim3A_366 = vector.shape_cast %broadcast_in_dim3A_47 : vector<16xi32> to vector<16x1xi32>
      %gather3A_367 = vector.shape_cast %broadcast_in_dim3A_366 : vector<16x1xi32> to vector<16xi32>
      %gather3A_368 = tpu.dynamic_gather %get3A_96[%gather3A_367] in [0] : vector<16xf32>, vector<16xi32> -> vector<16xf32>
      %broadcast_in_dim3A_369 = vector.shape_cast %broadcast_in_dim3A_47 : vector<16xi32> to vector<16x1xi32>
      %gather3A_370 = vector.shape_cast %broadcast_in_dim3A_369 : vector<16x1xi32> to vector<16xi32>
      %gather3A_371 = tpu.dynamic_gather %get3A_101[%gather3A_370] in [0] : vector<16xf32>, vector<16xi32> -> vector<16xf32>
      %broadcast_in_dim3A_372 = vector.shape_cast %broadcast_in_dim3A_47 : vector<16xi32> to vector<16x1xi32>
      %gather3A_373 = vector.shape_cast %broadcast_in_dim3A_372 : vector<16x1xi32> to vector<16xi32>
      %gather3A_374 = tpu.dynamic_gather %get3A_106[%gather3A_373] in [0] : vector<16xf32>, vector<16xi32> -> vector<16xf32>
      %broadcast_in_dim3A_375 = vector.shape_cast %broadcast_in_dim3A_47 : vector<16xi32> to vector<16x1xi32>
      %gather3A_376 = vector.shape_cast %broadcast_in_dim3A_375 : vector<16x1xi32> to vector<16xi32>
      %gather3A_377 = tpu.dynamic_gather %get3A_111[%gather3A_376] in [0] : vector<16xf32>, vector<16xi32> -> vector<16xf32>
      %broadcast_in_dim3A_378 = vector.shape_cast %broadcast_in_dim3A_49 : vector<16xi32> to vector<16x1xi32>
      %gather3A_379 = vector.shape_cast %broadcast_in_dim3A_378 : vector<16x1xi32> to vector<16xi32>
      %gather3A_380 = tpu.dynamic_gather %get3A_96[%gather3A_379] in [0] : vector<16xf32>, vector<16xi32> -> vector<16xf32>
      %broadcast_in_dim3A_381 = vector.shape_cast %broadcast_in_dim3A_49 : vector<16xi32> to vector<16x1xi32>
      %gather3A_382 = vector.shape_cast %broadcast_in_dim3A_381 : vector<16x1xi32> to vector<16xi32>
      %gather3A_383 = tpu.dynamic_gather %get3A_101[%gather3A_382] in [0] : vector<16xf32>, vector<16xi32> -> vector<16xf32>
      %broadcast_in_dim3A_384 = vector.shape_cast %broadcast_in_dim3A_49 : vector<16xi32> to vector<16x1xi32>
      %gather3A_385 = vector.shape_cast %broadcast_in_dim3A_384 : vector<16x1xi32> to vector<16xi32>
      %gather3A_386 = tpu.dynamic_gather %get3A_106[%gather3A_385] in [0] : vector<16xf32>, vector<16xi32> -> vector<16xf32>
      %broadcast_in_dim3A_387 = vector.shape_cast %broadcast_in_dim3A_49 : vector<16xi32> to vector<16x1xi32>
      %gather3A_388 = vector.shape_cast %broadcast_in_dim3A_387 : vector<16x1xi32> to vector<16xi32>
      %gather3A_389 = tpu.dynamic_gather %get3A_111[%gather3A_388] in [0] : vector<16xf32>, vector<16xi32> -> vector<16xf32>
      %broadcast_in_dim3A_390 = vector.shape_cast %broadcast_in_dim3A_51 : vector<16xi32> to vector<16x1xi32>
      %gather3A_391 = vector.shape_cast %broadcast_in_dim3A_390 : vector<16x1xi32> to vector<16xi32>
      %gather3A_392 = tpu.dynamic_gather %get3A_96[%gather3A_391] in [0] : vector<16xf32>, vector<16xi32> -> vector<16xf32>
      %broadcast_in_dim3A_393 = vector.shape_cast %broadcast_in_dim3A_51 : vector<16xi32> to vector<16x1xi32>
      %gather3A_394 = vector.shape_cast %broadcast_in_dim3A_393 : vector<16x1xi32> to vector<16xi32>
      %gather3A_395 = tpu.dynamic_gather %get3A_101[%gather3A_394] in [0] : vector<16xf32>, vector<16xi32> -> vector<16xf32>
      %broadcast_in_dim3A_396 = vector.shape_cast %broadcast_in_dim3A_51 : vector<16xi32> to vector<16x1xi32>
      %gather3A_397 = vector.shape_cast %broadcast_in_dim3A_396 : vector<16x1xi32> to vector<16xi32>
      %gather3A_398 = tpu.dynamic_gather %get3A_106[%gather3A_397] in [0] : vector<16xf32>, vector<16xi32> -> vector<16xf32>
      %broadcast_in_dim3A_399 = vector.shape_cast %broadcast_in_dim3A_51 : vector<16xi32> to vector<16x1xi32>
      %gather3A_400 = vector.shape_cast %broadcast_in_dim3A_399 : vector<16x1xi32> to vector<16xi32>
      %gather3A_401 = tpu.dynamic_gather %get3A_111[%gather3A_400] in [0] : vector<16xf32>, vector<16xi32> -> vector<16xf32>
      %broadcast_in_dim3A_402 = vector.shape_cast %broadcast_in_dim3A_53 : vector<16xi32> to vector<16x1xi32>
      %gather3A_403 = vector.shape_cast %broadcast_in_dim3A_402 : vector<16x1xi32> to vector<16xi32>
      %gather3A_404 = tpu.dynamic_gather %get3A_96[%gather3A_403] in [0] : vector<16xf32>, vector<16xi32> -> vector<16xf32>
      %broadcast_in_dim3A_405 = vector.shape_cast %broadcast_in_dim3A_53 : vector<16xi32> to vector<16x1xi32>
      %gather3A_406 = vector.shape_cast %broadcast_in_dim3A_405 : vector<16x1xi32> to vector<16xi32>
      %gather3A_407 = tpu.dynamic_gather %get3A_101[%gather3A_406] in [0] : vector<16xf32>, vector<16xi32> -> vector<16xf32>
      %broadcast_in_dim3A_408 = vector.shape_cast %broadcast_in_dim3A_53 : vector<16xi32> to vector<16x1xi32>
      %gather3A_409 = vector.shape_cast %broadcast_in_dim3A_408 : vector<16x1xi32> to vector<16xi32>
      %gather3A_410 = tpu.dynamic_gather %get3A_106[%gather3A_409] in [0] : vector<16xf32>, vector<16xi32> -> vector<16xf32>
      %broadcast_in_dim3A_411 = vector.shape_cast %broadcast_in_dim3A_53 : vector<16xi32> to vector<16x1xi32>
      %gather3A_412 = vector.shape_cast %broadcast_in_dim3A_411 : vector<16x1xi32> to vector<16xi32>
      %gather3A_413 = tpu.dynamic_gather %get3A_111[%gather3A_412] in [0] : vector<16xf32>, vector<16xi32> -> vector<16xf32>
      %broadcast_in_dim3A_414 = arith.constant 3.000000e+38 : f32
      %broadcast_in_dim3A_415 = vector.broadcast %broadcast_in_dim3A_414 : f32 to vector<16xf32>
      %scan3A_416 = arith.constant 0 : i32
      %scan3A_417 = arith.constant 64 : i32
      %scan3A_418 = arith.addi %scan3A_416, %scan3A_417 : i32
      %scan3A_419 = arith.constant 1 : i32
      %scan3A_420:4 = scf.for %scan3A_622 = %scan3A_416 to %scan3A_418 step %scan3A_419 iter_args(%scan3A_623 = %broadcast_in_dim3A_415, %scan3A_624 = %broadcast_in_dim3A_415, %scan3A_625 = %broadcast_in_dim3A_415, %scan3A_626 = %broadcast_in_dim3A_415) -> (vector<16xf32>, vector<16xf32>, vector<16xf32>, vector<16xf32>)  : i32 {
        %mul3A_627 = arith.constant 2 : i32
        %mul3A_628 = arith.muli %scan3A_622, %mul3A_627 : i32
        %add3A_629 = arith.constant 0 : i32
        %add3A_630 = arith.addi %mul3A_628, %add3A_629 : i32
        %mul3A_631 = arith.constant 16 : i32
        %mul3A_632 = arith.muli %add3A_630, %mul3A_631 : i32
        %get3A_633 = arith.constant 0 : i32
        %get3A_634 = arith.index_cast %get3A_633 : i32 to index
        %get3A_635 = arith.index_cast %mul3A_632 : i32 to index
        %get3A_636 = tpu.vector_load %arg6[%get3A_634, %get3A_635] {strides = array<i32>} : memref<4x2048xf32, #tpu.memory_space<vmem>>, vector<1x16xf32>,
        %get3A_637 = vector.shape_cast %get3A_636 : vector<1x16xf32> to vector<16xf32>
        %get3A_638 = arith.constant 1 : i32
        %get3A_639 = arith.index_cast %get3A_638 : i32 to index
        %get3A_640 = arith.index_cast %mul3A_632 : i32 to index
        %get3A_641 = tpu.vector_load %arg6[%get3A_639, %get3A_640] {strides = array<i32>} : memref<4x2048xf32, #tpu.memory_space<vmem>>, vector<1x16xf32>,
        %get3A_642 = vector.shape_cast %get3A_641 : vector<1x16xf32> to vector<16xf32>
        %get3A_643 = arith.constant 2 : i32
        %get3A_644 = arith.index_cast %get3A_643 : i32 to index
        %get3A_645 = arith.index_cast %mul3A_632 : i32 to index
        %get3A_646 = tpu.vector_load %arg6[%get3A_644, %get3A_645] {strides = array<i32>} : memref<4x2048xf32, #tpu.memory_space<vmem>>, vector<1x16xf32>,
        %get3A_647 = vector.shape_cast %get3A_646 : vector<1x16xf32> to vector<16xf32>
        %get3A_648 = arith.constant 3 : i32
        %get3A_649 = arith.index_cast %get3A_648 : i32 to index
        %get3A_650 = arith.index_cast %mul3A_632 : i32 to index
        %get3A_651 = tpu.vector_load %arg6[%get3A_649, %get3A_650] {strides = array<i32>} : memref<4x2048xf32, #tpu.memory_space<vmem>>, vector<1x16xf32>,
        %get3A_652 = vector.shape_cast %get3A_651 : vector<1x16xf32> to vector<16xf32>
        %get3A_653 = arith.index_cast %mul3A_632 : i32 to index
        %get3A_654 = tpu.vector_load %arg7[%get3A_653] {strides = array<i32>} : memref<2048xf32, #tpu.memory_space<vmem>>, vector<16xf32>,
        %get3A_655 = vector.shape_cast %get3A_654 : vector<16xf32> to vector<16xf32>
        %mul3A_656 = arith.mulf %get3A_637, %gather3A_368 : vector<16xf32>
        %mul3A_657 = arith.mulf %get3A_642, %gather3A_371 : vector<16xf32>
        %add3A_658 = arith.addf %mul3A_656, %mul3A_657 : vector<16xf32>
        %mul3A_659 = arith.mulf %get3A_647, %gather3A_374 : vector<16xf32>
        %add3A_660 = arith.addf %add3A_658, %mul3A_659 : vector<16xf32>
        %add3A_661 = arith.addf %add3A_660, %get3A_652 : vector<16xf32>
        %min3A_662 = arith.minimumf %scan3A_623, %add3A_661 : vector<16xf32>
        %add3A_663 = arith.addf %add3A_661, %gather3A_377 : vector<16xf32>
        %min3A_664 = arith.minimumf %get3A_655, %add3A_663 : vector<16xf32>
        %mul3A_665 = arith.mulf %get3A_637, %gather3A_380 : vector<16xf32>
        %mul3A_666 = arith.mulf %get3A_642, %gather3A_383 : vector<16xf32>
        %add3A_667 = arith.addf %mul3A_665, %mul3A_666 : vector<16xf32>
        %mul3A_668 = arith.mulf %get3A_647, %gather3A_386 : vector<16xf32>
        %add3A_669 = arith.addf %add3A_667, %mul3A_668 : vector<16xf32>
        %add3A_670 = arith.addf %add3A_669, %get3A_652 : vector<16xf32>
        %min3A_671 = arith.minimumf %scan3A_624, %add3A_670 : vector<16xf32>
        %add3A_672 = arith.addf %add3A_670, %gather3A_389 : vector<16xf32>
        %min3A_673 = arith.minimumf %min3A_664, %add3A_672 : vector<16xf32>
        %mul3A_674 = arith.mulf %get3A_637, %gather3A_392 : vector<16xf32>
        %mul3A_675 = arith.mulf %get3A_642, %gather3A_395 : vector<16xf32>
        %add3A_676 = arith.addf %mul3A_674, %mul3A_675 : vector<16xf32>
        %mul3A_677 = arith.mulf %get3A_647, %gather3A_398 : vector<16xf32>
        %add3A_678 = arith.addf %add3A_676, %mul3A_677 : vector<16xf32>
        %add3A_679 = arith.addf %add3A_678, %get3A_652 : vector<16xf32>
        %min3A_680 = arith.minimumf %scan3A_625, %add3A_679 : vector<16xf32>
        %add3A_681 = arith.addf %add3A_679, %gather3A_401 : vector<16xf32>
        %min3A_682 = arith.minimumf %min3A_673, %add3A_681 : vector<16xf32>
        %mul3A_683 = arith.mulf %get3A_637, %gather3A_404 : vector<16xf32>
        %mul3A_684 = arith.mulf %get3A_642, %gather3A_407 : vector<16xf32>
        %add3A_685 = arith.addf %mul3A_683, %mul3A_684 : vector<16xf32>
        %mul3A_686 = arith.mulf %get3A_647, %gather3A_410 : vector<16xf32>
        %add3A_687 = arith.addf %add3A_685, %mul3A_686 : vector<16xf32>
        %add3A_688 = arith.addf %add3A_687, %get3A_652 : vector<16xf32>
        %min3A_689 = arith.minimumf %scan3A_626, %add3A_688 : vector<16xf32>
        %add3A_690 = arith.addf %add3A_688, %gather3A_413 : vector<16xf32>
        %min3A_691 = arith.minimumf %min3A_682, %add3A_690 : vector<16xf32>
        %swap3A_692 = arith.index_cast %mul3A_632 : i32 to index
        %swap3A_693 = tpu.vector_load %arg7[%swap3A_692] {strides = array<i32>} : memref<2048xf32, #tpu.memory_space<vmem>>, vector<16xf32>,
        %swap3A_694 = vector.shape_cast %swap3A_693 : vector<16xf32> to vector<16xf32>
        %swap3A_695 = vector.shape_cast %min3A_691 : vector<16xf32> to vector<16xf32>
        tpu.vector_store %arg7[%swap3A_692], %swap3A_695 {strides = array<i32>} : memref<2048xf32, #tpu.memory_space<vmem>>, vector<16xf32>,
        %mul3A_696 = arith.constant 2 : i32
        %mul3A_697 = arith.muli %scan3A_622, %mul3A_696 : i32
        %add3A_698 = arith.constant 1 : i32
        %add3A_699 = arith.addi %mul3A_697, %add3A_698 : i32
        %mul3A_700 = arith.constant 16 : i32
        %mul3A_701 = arith.muli %add3A_699, %mul3A_700 : i32
        %get3A_702 = arith.constant 0 : i32
        %get3A_703 = arith.index_cast %get3A_702 : i32 to index
        %get3A_704 = arith.index_cast %mul3A_701 : i32 to index
        %get3A_705 = tpu.vector_load %arg6[%get3A_703, %get3A_704] {strides = array<i32>} : memref<4x2048xf32, #tpu.memory_space<vmem>>, vector<1x16xf32>,
        %get3A_706 = vector.shape_cast %get3A_705 : vector<1x16xf32> to vector<16xf32>
        %get3A_707 = arith.constant 1 : i32
        %get3A_708 = arith.index_cast %get3A_707 : i32 to index
        %get3A_709 = arith.index_cast %mul3A_701 : i32 to index
        %get3A_710 = tpu.vector_load %arg6[%get3A_708, %get3A_709] {strides = array<i32>} : memref<4x2048xf32, #tpu.memory_space<vmem>>, vector<1x16xf32>,
        %get3A_711 = vector.shape_cast %get3A_710 : vector<1x16xf32> to vector<16xf32>
        %get3A_712 = arith.constant 2 : i32
        %get3A_713 = arith.index_cast %get3A_712 : i32 to index
        %get3A_714 = arith.index_cast %mul3A_701 : i32 to index
        %get3A_715 = tpu.vector_load %arg6[%get3A_713, %get3A_714] {strides = array<i32>} : memref<4x2048xf32, #tpu.memory_space<vmem>>, vector<1x16xf32>,
        %get3A_716 = vector.shape_cast %get3A_715 : vector<1x16xf32> to vector<16xf32>
        %get3A_717 = arith.constant 3 : i32
        %get3A_718 = arith.index_cast %get3A_717 : i32 to index
        %get3A_719 = arith.index_cast %mul3A_701 : i32 to index
        %get3A_720 = tpu.vector_load %arg6[%get3A_718, %get3A_719] {strides = array<i32>} : memref<4x2048xf32, #tpu.memory_space<vmem>>, vector<1x16xf32>,
        %get3A_721 = vector.shape_cast %get3A_720 : vector<1x16xf32> to vector<16xf32>
        %get3A_722 = arith.index_cast %mul3A_701 : i32 to index
        %get3A_723 = tpu.vector_load %arg7[%get3A_722] {strides = array<i32>} : memref<2048xf32, #tpu.memory_space<vmem>>, vector<16xf32>,
        %get3A_724 = vector.shape_cast %get3A_723 : vector<16xf32> to vector<16xf32>
        %mul3A_725 = arith.mulf %get3A_706, %gather3A_368 : vector<16xf32>
        %mul3A_726 = arith.mulf %get3A_711, %gather3A_371 : vector<16xf32>
        %add3A_727 = arith.addf %mul3A_725, %mul3A_726 : vector<16xf32>
        %mul3A_728 = arith.mulf %get3A_716, %gather3A_374 : vector<16xf32>
        %add3A_729 = arith.addf %add3A_727, %mul3A_728 : vector<16xf32>
        %add3A_730 = arith.addf %add3A_729, %get3A_721 : vector<16xf32>
        %min3A_731 = arith.minimumf %min3A_662, %add3A_730 : vector<16xf32>
        %add3A_732 = arith.addf %add3A_730, %gather3A_377 : vector<16xf32>
        %min3A_733 = arith.minimumf %get3A_724, %add3A_732 : vector<16xf32>
        %mul3A_734 = arith.mulf %get3A_706, %gather3A_380 : vector<16xf32>
        %mul3A_735 = arith.mulf %get3A_711, %gather3A_383 : vector<16xf32>
        %add3A_736 = arith.addf %mul3A_734, %mul3A_735 : vector<16xf32>
        %mul3A_737 = arith.mulf %get3A_716, %gather3A_386 : vector<16xf32>
        %add3A_738 = arith.addf %add3A_736, %mul3A_737 : vector<16xf32>
        %add3A_739 = arith.addf %add3A_738, %get3A_721 : vector<16xf32>
        %min3A_740 = arith.minimumf %min3A_671, %add3A_739 : vector<16xf32>
        %add3A_741 = arith.addf %add3A_739, %gather3A_389 : vector<16xf32>
        %min3A_742 = arith.minimumf %min3A_733, %add3A_741 : vector<16xf32>
        %mul3A_743 = arith.mulf %get3A_706, %gather3A_392 : vector<16xf32>
        %mul3A_744 = arith.mulf %get3A_711, %gather3A_395 : vector<16xf32>
        %add3A_745 = arith.addf %mul3A_743, %mul3A_744 : vector<16xf32>
        %mul3A_746 = arith.mulf %get3A_716, %gather3A_398 : vector<16xf32>
        %add3A_747 = arith.addf %add3A_745, %mul3A_746 : vector<16xf32>
        %add3A_748 = arith.addf %add3A_747, %get3A_721 : vector<16xf32>
        %min3A_749 = arith.minimumf %min3A_680, %add3A_748 : vector<16xf32>
        %add3A_750 = arith.addf %add3A_748, %gather3A_401 : vector<16xf32>
        %min3A_751 = arith.minimumf %min3A_742, %add3A_750 : vector<16xf32>
        %mul3A_752 = arith.mulf %get3A_706, %gather3A_404 : vector<16xf32>
        %mul3A_753 = arith.mulf %get3A_711, %gather3A_407 : vector<16xf32>
        %add3A_754 = arith.addf %mul3A_752, %mul3A_753 : vector<16xf32>
        %mul3A_755 = arith.mulf %get3A_716, %gather3A_410 : vector<16xf32>
        %add3A_756 = arith.addf %add3A_754, %mul3A_755 : vector<16xf32>
        %add3A_757 = arith.addf %add3A_756, %get3A_721 : vector<16xf32>
        %min3A_758 = arith.minimumf %min3A_689, %add3A_757 : vector<16xf32>
        %add3A_759 = arith.addf %add3A_757, %gather3A_413 : vector<16xf32>
        %min3A_760 = arith.minimumf %min3A_751, %add3A_759 : vector<16xf32>
        %swap3A_761 = arith.index_cast %mul3A_701 : i32 to index
        %swap3A_762 = tpu.vector_load %arg7[%swap3A_761] {strides = array<i32>} : memref<2048xf32, #tpu.memory_space<vmem>>, vector<16xf32>,
        %swap3A_763 = vector.shape_cast %swap3A_762 : vector<16xf32> to vector<16xf32>
        %swap3A_764 = vector.shape_cast %min3A_760 : vector<16xf32> to vector<16xf32>
        tpu.vector_store %arg7[%swap3A_761], %swap3A_764 {strides = array<i32>} : memref<2048xf32, #tpu.memory_space<vmem>>, vector<16xf32>,
        scf.yield %min3A_731, %min3A_740, %min3A_749, %min3A_758 : vector<16xf32>, vector<16xf32>, vector<16xf32>, vector<16xf32>
      }
      %scan3A_421 = arith.constant 64 : i32
      %broadcast_in_dim3A_422 = vector.shape_cast %xor3A_63 : vector<16xi32> to vector<16x1xi32>
      %gather3A_423 = vector.shape_cast %broadcast_in_dim3A_422 : vector<16x1xi32> to vector<16xi32>
      %gather3A_424 = tpu.dynamic_gather %scan3A_420#0[%gather3A_423] in [0] : vector<16xf32>, vector<16xi32> -> vector<16xf32>
      %min3A_425 = arith.minimumf %scan3A_420#0, %gather3A_424 : vector<16xf32>
      %broadcast_in_dim3A_426 = vector.shape_cast %xor3A_66 : vector<16xi32> to vector<16x1xi32>
      %gather3A_427 = vector.shape_cast %broadcast_in_dim3A_426 : vector<16x1xi32> to vector<16xi32>
      %gather3A_428 = tpu.dynamic_gather %min3A_425[%gather3A_427] in [0] : vector<16xf32>, vector<16xi32> -> vector<16xf32>
      %min3A_429 = arith.minimumf %min3A_425, %gather3A_428 : vector<16xf32>
      %broadcast_in_dim3A_430 = vector.shape_cast %xor3A_69 : vector<16xi32> to vector<16x1xi32>
      %gather3A_431 = vector.shape_cast %broadcast_in_dim3A_430 : vector<16x1xi32> to vector<16xi32>
      %gather3A_432 = tpu.dynamic_gather %min3A_429[%gather3A_431] in [0] : vector<16xf32>, vector<16xi32> -> vector<16xf32>
      %min3A_433 = arith.minimumf %min3A_429, %gather3A_432 : vector<16xf32>
      %broadcast_in_dim3A_434 = vector.shape_cast %xor3A_72 : vector<16xi32> to vector<16x1xi32>
      %gather3A_435 = vector.shape_cast %broadcast_in_dim3A_434 : vector<16x1xi32> to vector<16xi32>
      %gather3A_436 = tpu.dynamic_gather %min3A_433[%gather3A_435] in [0] : vector<16xf32>, vector<16xi32> -> vector<16xf32>
      %min3A_437 = arith.minimumf %min3A_433, %gather3A_436 : vector<16xf32>
      %add3A_438 = arith.addf %min3A_437, %gather3A_377 : vector<16xf32>
      %add3A_439 = arith.addf %add3A_365, %add3A_438 : vector<16xf32>
      %broadcast_in_dim3A_440 = vector.shape_cast %xor3A_63 : vector<16xi32> to vector<16x1xi32>
      %gather3A_441 = vector.shape_cast %broadcast_in_dim3A_440 : vector<16x1xi32> to vector<16xi32>
      %gather3A_442 = tpu.dynamic_gather %scan3A_420#1[%gather3A_441] in [0] : vector<16xf32>, vector<16xi32> -> vector<16xf32>
      %min3A_443 = arith.minimumf %scan3A_420#1, %gather3A_442 : vector<16xf32>
      %broadcast_in_dim3A_444 = vector.shape_cast %xor3A_66 : vector<16xi32> to vector<16x1xi32>
      %gather3A_445 = vector.shape_cast %broadcast_in_dim3A_444 : vector<16x1xi32> to vector<16xi32>
      %gather3A_446 = tpu.dynamic_gather %min3A_443[%gather3A_445] in [0] : vector<16xf32>, vector<16xi32> -> vector<16xf32>
      %min3A_447 = arith.minimumf %min3A_443, %gather3A_446 : vector<16xf32>
      %broadcast_in_dim3A_448 = vector.shape_cast %xor3A_69 : vector<16xi32> to vector<16x1xi32>
      %gather3A_449 = vector.shape_cast %broadcast_in_dim3A_448 : vector<16x1xi32> to vector<16xi32>
      %gather3A_450 = tpu.dynamic_gather %min3A_447[%gather3A_449] in [0] : vector<16xf32>, vector<16xi32> -> vector<16xf32>
      %min3A_451 = arith.minimumf %min3A_447, %gather3A_450 : vector<16xf32>
      %broadcast_in_dim3A_452 = vector.shape_cast %xor3A_72 : vector<16xi32> to vector<16x1xi32>
      %gather3A_453 = vector.shape_cast %broadcast_in_dim3A_452 : vector<16x1xi32> to vector<16xi32>
      %gather3A_454 = tpu.dynamic_gather %min3A_451[%gather3A_453] in [0] : vector<16xf32>, vector<16xi32> -> vector<16xf32>
      %min3A_455 = arith.minimumf %min3A_451, %gather3A_454 : vector<16xf32>
      %add3A_456 = arith.addf %min3A_455, %gather3A_389 : vector<16xf32>
      %add3A_457 = arith.addf %add3A_439, %add3A_456 : vector<16xf32>
      %broadcast_in_dim3A_458 = vector.shape_cast %xor3A_63 : vector<16xi32> to vector<16x1xi32>
      %gather3A_459 = vector.shape_cast %broadcast_in_dim3A_458 : vector<16x1xi32> to vector<16xi32>
      %gather3A_460 = tpu.dynamic_gather %scan3A_420#2[%gather3A_459] in [0] : vector<16xf32>, vector<16xi32> -> vector<16xf32>
      %min3A_461 = arith.minimumf %scan3A_420#2, %gather3A_460 : vector<16xf32>
      %broadcast_in_dim3A_462 = vector.shape_cast %xor3A_66 : vector<16xi32> to vector<16x1xi32>
      %gather3A_463 = vector.shape_cast %broadcast_in_dim3A_462 : vector<16x1xi32> to vector<16xi32>
      %gather3A_464 = tpu.dynamic_gather %min3A_461[%gather3A_463] in [0] : vector<16xf32>, vector<16xi32> -> vector<16xf32>
      %min3A_465 = arith.minimumf %min3A_461, %gather3A_464 : vector<16xf32>
      %broadcast_in_dim3A_466 = vector.shape_cast %xor3A_69 : vector<16xi32> to vector<16x1xi32>
      %gather3A_467 = vector.shape_cast %broadcast_in_dim3A_466 : vector<16x1xi32> to vector<16xi32>
      %gather3A_468 = tpu.dynamic_gather %min3A_465[%gather3A_467] in [0] : vector<16xf32>, vector<16xi32> -> vector<16xf32>
      %min3A_469 = arith.minimumf %min3A_465, %gather3A_468 : vector<16xf32>
      %broadcast_in_dim3A_470 = vector.shape_cast %xor3A_72 : vector<16xi32> to vector<16x1xi32>
      %gather3A_471 = vector.shape_cast %broadcast_in_dim3A_470 : vector<16x1xi32> to vector<16xi32>
      %gather3A_472 = tpu.dynamic_gather %min3A_469[%gather3A_471] in [0] : vector<16xf32>, vector<16xi32> -> vector<16xf32>
      %min3A_473 = arith.minimumf %min3A_469, %gather3A_472 : vector<16xf32>
      %add3A_474 = arith.addf %min3A_473, %gather3A_401 : vector<16xf32>
      %add3A_475 = arith.addf %add3A_457, %add3A_474 : vector<16xf32>
      %broadcast_in_dim3A_476 = vector.shape_cast %xor3A_63 : vector<16xi32> to vector<16x1xi32>
      %gather3A_477 = vector.shape_cast %broadcast_in_dim3A_476 : vector<16x1xi32> to vector<16xi32>
      %gather3A_478 = tpu.dynamic_gather %scan3A_420#3[%gather3A_477] in [0] : vector<16xf32>, vector<16xi32> -> vector<16xf32>
      %min3A_479 = arith.minimumf %scan3A_420#3, %gather3A_478 : vector<16xf32>
      %broadcast_in_dim3A_480 = vector.shape_cast %xor3A_66 : vector<16xi32> to vector<16x1xi32>
      %gather3A_481 = vector.shape_cast %broadcast_in_dim3A_480 : vector<16x1xi32> to vector<16xi32>
      %gather3A_482 = tpu.dynamic_gather %min3A_479[%gather3A_481] in [0] : vector<16xf32>, vector<16xi32> -> vector<16xf32>
      %min3A_483 = arith.minimumf %min3A_479, %gather3A_482 : vector<16xf32>
      %broadcast_in_dim3A_484 = vector.shape_cast %xor3A_69 : vector<16xi32> to vector<16x1xi32>
      %gather3A_485 = vector.shape_cast %broadcast_in_dim3A_484 : vector<16x1xi32> to vector<16xi32>
      %gather3A_486 = tpu.dynamic_gather %min3A_483[%gather3A_485] in [0] : vector<16xf32>, vector<16xi32> -> vector<16xf32>
      %min3A_487 = arith.minimumf %min3A_483, %gather3A_486 : vector<16xf32>
      %broadcast_in_dim3A_488 = vector.shape_cast %xor3A_72 : vector<16xi32> to vector<16x1xi32>
      %gather3A_489 = vector.shape_cast %broadcast_in_dim3A_488 : vector<16x1xi32> to vector<16xi32>
      %gather3A_490 = tpu.dynamic_gather %min3A_487[%gather3A_489] in [0] : vector<16xf32>, vector<16xi32> -> vector<16xf32>
      %min3A_491 = arith.minimumf %min3A_487, %gather3A_490 : vector<16xf32>
      %add3A_492 = arith.addf %min3A_491, %gather3A_413 : vector<16xf32>
      %add3A_493 = arith.addf %add3A_475, %add3A_492 : vector<16xf32>
      %broadcast_in_dim3A_494 = vector.shape_cast %broadcast_in_dim3A_55 : vector<16xi32> to vector<16x1xi32>
      %gather3A_495 = vector.shape_cast %broadcast_in_dim3A_494 : vector<16x1xi32> to vector<16xi32>
      %gather3A_496 = tpu.dynamic_gather %get3A_96[%gather3A_495] in [0] : vector<16xf32>, vector<16xi32> -> vector<16xf32>
      %broadcast_in_dim3A_497 = vector.shape_cast %broadcast_in_dim3A_55 : vector<16xi32> to vector<16x1xi32>
      %gather3A_498 = vector.shape_cast %broadcast_in_dim3A_497 : vector<16x1xi32> to vector<16xi32>
      %gather3A_499 = tpu.dynamic_gather %get3A_101[%gather3A_498] in [0] : vector<16xf32>, vector<16xi32> -> vector<16xf32>
      %broadcast_in_dim3A_500 = vector.shape_cast %broadcast_in_dim3A_55 : vector<16xi32> to vector<16x1xi32>
      %gather3A_501 = vector.shape_cast %broadcast_in_dim3A_500 : vector<16x1xi32> to vector<16xi32>
      %gather3A_502 = tpu.dynamic_gather %get3A_106[%gather3A_501] in [0] : vector<16xf32>, vector<16xi32> -> vector<16xf32>
      %broadcast_in_dim3A_503 = vector.shape_cast %broadcast_in_dim3A_55 : vector<16xi32> to vector<16x1xi32>
      %gather3A_504 = vector.shape_cast %broadcast_in_dim3A_503 : vector<16x1xi32> to vector<16xi32>
      %gather3A_505 = tpu.dynamic_gather %get3A_111[%gather3A_504] in [0] : vector<16xf32>, vector<16xi32> -> vector<16xf32>
      %broadcast_in_dim3A_506 = vector.shape_cast %broadcast_in_dim3A_57 : vector<16xi32> to vector<16x1xi32>
      %gather3A_507 = vector.shape_cast %broadcast_in_dim3A_506 : vector<16x1xi32> to vector<16xi32>
      %gather3A_508 = tpu.dynamic_gather %get3A_96[%gather3A_507] in [0] : vector<16xf32>, vector<16xi32> -> vector<16xf32>
      %broadcast_in_dim3A_509 = vector.shape_cast %broadcast_in_dim3A_57 : vector<16xi32> to vector<16x1xi32>
      %gather3A_510 = vector.shape_cast %broadcast_in_dim3A_509 : vector<16x1xi32> to vector<16xi32>
      %gather3A_511 = tpu.dynamic_gather %get3A_101[%gather3A_510] in [0] : vector<16xf32>, vector<16xi32> -> vector<16xf32>
      %broadcast_in_dim3A_512 = vector.shape_cast %broadcast_in_dim3A_57 : vector<16xi32> to vector<16x1xi32>
      %gather3A_513 = vector.shape_cast %broadcast_in_dim3A_512 : vector<16x1xi32> to vector<16xi32>
      %gather3A_514 = tpu.dynamic_gather %get3A_106[%gather3A_513] in [0] : vector<16xf32>, vector<16xi32> -> vector<16xf32>
      %broadcast_in_dim3A_515 = vector.shape_cast %broadcast_in_dim3A_57 : vector<16xi32> to vector<16x1xi32>
      %gather3A_516 = vector.shape_cast %broadcast_in_dim3A_515 : vector<16x1xi32> to vector<16xi32>
      %gather3A_517 = tpu.dynamic_gather %get3A_111[%gather3A_516] in [0] : vector<16xf32>, vector<16xi32> -> vector<16xf32>
      %broadcast_in_dim3A_518 = vector.shape_cast %broadcast_in_dim3A_59 : vector<16xi32> to vector<16x1xi32>
      %gather3A_519 = vector.shape_cast %broadcast_in_dim3A_518 : vector<16x1xi32> to vector<16xi32>
      %gather3A_520 = tpu.dynamic_gather %get3A_96[%gather3A_519] in [0] : vector<16xf32>, vector<16xi32> -> vector<16xf32>
      %broadcast_in_dim3A_521 = vector.shape_cast %broadcast_in_dim3A_59 : vector<16xi32> to vector<16x1xi32>
      %gather3A_522 = vector.shape_cast %broadcast_in_dim3A_521 : vector<16x1xi32> to vector<16xi32>
      %gather3A_523 = tpu.dynamic_gather %get3A_101[%gather3A_522] in [0] : vector<16xf32>, vector<16xi32> -> vector<16xf32>
      %broadcast_in_dim3A_524 = vector.shape_cast %broadcast_in_dim3A_59 : vector<16xi32> to vector<16x1xi32>
      %gather3A_525 = vector.shape_cast %broadcast_in_dim3A_524 : vector<16x1xi32> to vector<16xi32>
      %gather3A_526 = tpu.dynamic_gather %get3A_106[%gather3A_525] in [0] : vector<16xf32>, vector<16xi32> -> vector<16xf32>
      %broadcast_in_dim3A_527 = vector.shape_cast %broadcast_in_dim3A_59 : vector<16xi32> to vector<16x1xi32>
      %gather3A_528 = vector.shape_cast %broadcast_in_dim3A_527 : vector<16x1xi32> to vector<16xi32>
      %gather3A_529 = tpu.dynamic_gather %get3A_111[%gather3A_528] in [0] : vector<16xf32>, vector<16xi32> -> vector<16xf32>
      %broadcast_in_dim3A_530 = vector.shape_cast %broadcast_in_dim3A_61 : vector<16xi32> to vector<16x1xi32>
      %gather3A_531 = vector.shape_cast %broadcast_in_dim3A_530 : vector<16x1xi32> to vector<16xi32>
      %gather3A_532 = tpu.dynamic_gather %get3A_96[%gather3A_531] in [0] : vector<16xf32>, vector<16xi32> -> vector<16xf32>
      %broadcast_in_dim3A_533 = vector.shape_cast %broadcast_in_dim3A_61 : vector<16xi32> to vector<16x1xi32>
      %gather3A_534 = vector.shape_cast %broadcast_in_dim3A_533 : vector<16x1xi32> to vector<16xi32>
      %gather3A_535 = tpu.dynamic_gather %get3A_101[%gather3A_534] in [0] : vector<16xf32>, vector<16xi32> -> vector<16xf32>
      %broadcast_in_dim3A_536 = vector.shape_cast %broadcast_in_dim3A_61 : vector<16xi32> to vector<16x1xi32>
      %gather3A_537 = vector.shape_cast %broadcast_in_dim3A_536 : vector<16x1xi32> to vector<16xi32>
      %gather3A_538 = tpu.dynamic_gather %get3A_106[%gather3A_537] in [0] : vector<16xf32>, vector<16xi32> -> vector<16xf32>
      %broadcast_in_dim3A_539 = vector.shape_cast %broadcast_in_dim3A_61 : vector<16xi32> to vector<16x1xi32>
      %gather3A_540 = vector.shape_cast %broadcast_in_dim3A_539 : vector<16x1xi32> to vector<16xi32>
      %gather3A_541 = tpu.dynamic_gather %get3A_111[%gather3A_540] in [0] : vector<16xf32>, vector<16xi32> -> vector<16xf32>
      %broadcast_in_dim3A_542 = arith.constant 3.000000e+38 : f32
      %broadcast_in_dim3A_543 = vector.broadcast %broadcast_in_dim3A_542 : f32 to vector<16xf32>
      %scan3A_544 = arith.constant 0 : i32
      %scan3A_545 = arith.constant 64 : i32
      %scan3A_546 = arith.addi %scan3A_544, %scan3A_545 : i32
      %scan3A_547 = arith.constant 1 : i32
      %scan3A_548:4 = scf.for %scan3A_622 = %scan3A_544 to %scan3A_546 step %scan3A_547 iter_args(%scan3A_623 = %broadcast_in_dim3A_543, %scan3A_624 = %broadcast_in_dim3A_543, %scan3A_625 = %broadcast_in_dim3A_543, %scan3A_626 = %broadcast_in_dim3A_543) -> (vector<16xf32>, vector<16xf32>, vector<16xf32>, vector<16xf32>)  : i32 {
        %mul3A_627 = arith.constant 2 : i32
        %mul3A_628 = arith.muli %scan3A_622, %mul3A_627 : i32
        %add3A_629 = arith.constant 0 : i32
        %add3A_630 = arith.addi %mul3A_628, %add3A_629 : i32
        %mul3A_631 = arith.constant 16 : i32
        %mul3A_632 = arith.muli %add3A_630, %mul3A_631 : i32
        %get3A_633 = arith.constant 0 : i32
        %get3A_634 = arith.index_cast %get3A_633 : i32 to index
        %get3A_635 = arith.index_cast %mul3A_632 : i32 to index
        %get3A_636 = tpu.vector_load %arg6[%get3A_634, %get3A_635] {strides = array<i32>} : memref<4x2048xf32, #tpu.memory_space<vmem>>, vector<1x16xf32>,
        %get3A_637 = vector.shape_cast %get3A_636 : vector<1x16xf32> to vector<16xf32>
        %get3A_638 = arith.constant 1 : i32
        %get3A_639 = arith.index_cast %get3A_638 : i32 to index
        %get3A_640 = arith.index_cast %mul3A_632 : i32 to index
        %get3A_641 = tpu.vector_load %arg6[%get3A_639, %get3A_640] {strides = array<i32>} : memref<4x2048xf32, #tpu.memory_space<vmem>>, vector<1x16xf32>,
        %get3A_642 = vector.shape_cast %get3A_641 : vector<1x16xf32> to vector<16xf32>
        %get3A_643 = arith.constant 2 : i32
        %get3A_644 = arith.index_cast %get3A_643 : i32 to index
        %get3A_645 = arith.index_cast %mul3A_632 : i32 to index
        %get3A_646 = tpu.vector_load %arg6[%get3A_644, %get3A_645] {strides = array<i32>} : memref<4x2048xf32, #tpu.memory_space<vmem>>, vector<1x16xf32>,
        %get3A_647 = vector.shape_cast %get3A_646 : vector<1x16xf32> to vector<16xf32>
        %get3A_648 = arith.constant 3 : i32
        %get3A_649 = arith.index_cast %get3A_648 : i32 to index
        %get3A_650 = arith.index_cast %mul3A_632 : i32 to index
        %get3A_651 = tpu.vector_load %arg6[%get3A_649, %get3A_650] {strides = array<i32>} : memref<4x2048xf32, #tpu.memory_space<vmem>>, vector<1x16xf32>,
        %get3A_652 = vector.shape_cast %get3A_651 : vector<1x16xf32> to vector<16xf32>
        %get3A_653 = arith.index_cast %mul3A_632 : i32 to index
        %get3A_654 = tpu.vector_load %arg7[%get3A_653] {strides = array<i32>} : memref<2048xf32, #tpu.memory_space<vmem>>, vector<16xf32>,
        %get3A_655 = vector.shape_cast %get3A_654 : vector<16xf32> to vector<16xf32>
        %mul3A_656 = arith.mulf %get3A_637, %gather3A_496 : vector<16xf32>
        %mul3A_657 = arith.mulf %get3A_642, %gather3A_499 : vector<16xf32>
        %add3A_658 = arith.addf %mul3A_656, %mul3A_657 : vector<16xf32>
        %mul3A_659 = arith.mulf %get3A_647, %gather3A_502 : vector<16xf32>
        %add3A_660 = arith.addf %add3A_658, %mul3A_659 : vector<16xf32>
        %add3A_661 = arith.addf %add3A_660, %get3A_652 : vector<16xf32>
        %min3A_662 = arith.minimumf %scan3A_623, %add3A_661 : vector<16xf32>
        %add3A_663 = arith.addf %add3A_661, %gather3A_505 : vector<16xf32>
        %min3A_664 = arith.minimumf %get3A_655, %add3A_663 : vector<16xf32>
        %mul3A_665 = arith.mulf %get3A_637, %gather3A_508 : vector<16xf32>
        %mul3A_666 = arith.mulf %get3A_642, %gather3A_511 : vector<16xf32>
        %add3A_667 = arith.addf %mul3A_665, %mul3A_666 : vector<16xf32>
        %mul3A_668 = arith.mulf %get3A_647, %gather3A_514 : vector<16xf32>
        %add3A_669 = arith.addf %add3A_667, %mul3A_668 : vector<16xf32>
        %add3A_670 = arith.addf %add3A_669, %get3A_652 : vector<16xf32>
        %min3A_671 = arith.minimumf %scan3A_624, %add3A_670 : vector<16xf32>
        %add3A_672 = arith.addf %add3A_670, %gather3A_517 : vector<16xf32>
        %min3A_673 = arith.minimumf %min3A_664, %add3A_672 : vector<16xf32>
        %mul3A_674 = arith.mulf %get3A_637, %gather3A_520 : vector<16xf32>
        %mul3A_675 = arith.mulf %get3A_642, %gather3A_523 : vector<16xf32>
        %add3A_676 = arith.addf %mul3A_674, %mul3A_675 : vector<16xf32>
        %mul3A_677 = arith.mulf %get3A_647, %gather3A_526 : vector<16xf32>
        %add3A_678 = arith.addf %add3A_676, %mul3A_677 : vector<16xf32>
        %add3A_679 = arith.addf %add3A_678, %get3A_652 : vector<16xf32>
        %min3A_680 = arith.minimumf %scan3A_625, %add3A_679 : vector<16xf32>
        %add3A_681 = arith.addf %add3A_679, %gather3A_529 : vector<16xf32>
        %min3A_682 = arith.minimumf %min3A_673, %add3A_681 : vector<16xf32>
        %mul3A_683 = arith.mulf %get3A_637, %gather3A_532 : vector<16xf32>
        %mul3A_684 = arith.mulf %get3A_642, %gather3A_535 : vector<16xf32>
        %add3A_685 = arith.addf %mul3A_683, %mul3A_684 : vector<16xf32>
        %mul3A_686 = arith.mulf %get3A_647, %gather3A_538 : vector<16xf32>
        %add3A_687 = arith.addf %add3A_685, %mul3A_686 : vector<16xf32>
        %add3A_688 = arith.addf %add3A_687, %get3A_652 : vector<16xf32>
        %min3A_689 = arith.minimumf %scan3A_626, %add3A_688 : vector<16xf32>
        %add3A_690 = arith.addf %add3A_688, %gather3A_541 : vector<16xf32>
        %min3A_691 = arith.minimumf %min3A_682, %add3A_690 : vector<16xf32>
        %swap3A_692 = arith.index_cast %mul3A_632 : i32 to index
        %swap3A_693 = tpu.vector_load %arg7[%swap3A_692] {strides = array<i32>} : memref<2048xf32, #tpu.memory_space<vmem>>, vector<16xf32>,
        %swap3A_694 = vector.shape_cast %swap3A_693 : vector<16xf32> to vector<16xf32>
        %swap3A_695 = vector.shape_cast %min3A_691 : vector<16xf32> to vector<16xf32>
        tpu.vector_store %arg7[%swap3A_692], %swap3A_695 {strides = array<i32>} : memref<2048xf32, #tpu.memory_space<vmem>>, vector<16xf32>,
        %mul3A_696 = arith.constant 2 : i32
        %mul3A_697 = arith.muli %scan3A_622, %mul3A_696 : i32
        %add3A_698 = arith.constant 1 : i32
        %add3A_699 = arith.addi %mul3A_697, %add3A_698 : i32
        %mul3A_700 = arith.constant 16 : i32
        %mul3A_701 = arith.muli %add3A_699, %mul3A_700 : i32
        %get3A_702 = arith.constant 0 : i32
        %get3A_703 = arith.index_cast %get3A_702 : i32 to index
        %get3A_704 = arith.index_cast %mul3A_701 : i32 to index
        %get3A_705 = tpu.vector_load %arg6[%get3A_703, %get3A_704] {strides = array<i32>} : memref<4x2048xf32, #tpu.memory_space<vmem>>, vector<1x16xf32>,
        %get3A_706 = vector.shape_cast %get3A_705 : vector<1x16xf32> to vector<16xf32>
        %get3A_707 = arith.constant 1 : i32
        %get3A_708 = arith.index_cast %get3A_707 : i32 to index
        %get3A_709 = arith.index_cast %mul3A_701 : i32 to index
        %get3A_710 = tpu.vector_load %arg6[%get3A_708, %get3A_709] {strides = array<i32>} : memref<4x2048xf32, #tpu.memory_space<vmem>>, vector<1x16xf32>,
        %get3A_711 = vector.shape_cast %get3A_710 : vector<1x16xf32> to vector<16xf32>
        %get3A_712 = arith.constant 2 : i32
        %get3A_713 = arith.index_cast %get3A_712 : i32 to index
        %get3A_714 = arith.index_cast %mul3A_701 : i32 to index
        %get3A_715 = tpu.vector_load %arg6[%get3A_713, %get3A_714] {strides = array<i32>} : memref<4x2048xf32, #tpu.memory_space<vmem>>, vector<1x16xf32>,
        %get3A_716 = vector.shape_cast %get3A_715 : vector<1x16xf32> to vector<16xf32>
        %get3A_717 = arith.constant 3 : i32
        %get3A_718 = arith.index_cast %get3A_717 : i32 to index
        %get3A_719 = arith.index_cast %mul3A_701 : i32 to index
        %get3A_720 = tpu.vector_load %arg6[%get3A_718, %get3A_719] {strides = array<i32>} : memref<4x2048xf32, #tpu.memory_space<vmem>>, vector<1x16xf32>,
        %get3A_721 = vector.shape_cast %get3A_720 : vector<1x16xf32> to vector<16xf32>
        %get3A_722 = arith.index_cast %mul3A_701 : i32 to index
        %get3A_723 = tpu.vector_load %arg7[%get3A_722] {strides = array<i32>} : memref<2048xf32, #tpu.memory_space<vmem>>, vector<16xf32>,
        %get3A_724 = vector.shape_cast %get3A_723 : vector<16xf32> to vector<16xf32>
        %mul3A_725 = arith.mulf %get3A_706, %gather3A_496 : vector<16xf32>
        %mul3A_726 = arith.mulf %get3A_711, %gather3A_499 : vector<16xf32>
        %add3A_727 = arith.addf %mul3A_725, %mul3A_726 : vector<16xf32>
        %mul3A_728 = arith.mulf %get3A_716, %gather3A_502 : vector<16xf32>
        %add3A_729 = arith.addf %add3A_727, %mul3A_728 : vector<16xf32>
        %add3A_730 = arith.addf %add3A_729, %get3A_721 : vector<16xf32>
        %min3A_731 = arith.minimumf %min3A_662, %add3A_730 : vector<16xf32>
        %add3A_732 = arith.addf %add3A_730, %gather3A_505 : vector<16xf32>
        %min3A_733 = arith.minimumf %get3A_724, %add3A_732 : vector<16xf32>
        %mul3A_734 = arith.mulf %get3A_706, %gather3A_508 : vector<16xf32>
        %mul3A_735 = arith.mulf %get3A_711, %gather3A_511 : vector<16xf32>
        %add3A_736 = arith.addf %mul3A_734, %mul3A_735 : vector<16xf32>
        %mul3A_737 = arith.mulf %get3A_716, %gather3A_514 : vector<16xf32>
        %add3A_738 = arith.addf %add3A_736, %mul3A_737 : vector<16xf32>
        %add3A_739 = arith.addf %add3A_738, %get3A_721 : vector<16xf32>
        %min3A_740 = arith.minimumf %min3A_671, %add3A_739 : vector<16xf32>
        %add3A_741 = arith.addf %add3A_739, %gather3A_517 : vector<16xf32>
        %min3A_742 = arith.minimumf %min3A_733, %add3A_741 : vector<16xf32>
        %mul3A_743 = arith.mulf %get3A_706, %gather3A_520 : vector<16xf32>
        %mul3A_744 = arith.mulf %get3A_711, %gather3A_523 : vector<16xf32>
        %add3A_745 = arith.addf %mul3A_743, %mul3A_744 : vector<16xf32>
        %mul3A_746 = arith.mulf %get3A_716, %gather3A_526 : vector<16xf32>
        %add3A_747 = arith.addf %add3A_745, %mul3A_746 : vector<16xf32>
        %add3A_748 = arith.addf %add3A_747, %get3A_721 : vector<16xf32>
        %min3A_749 = arith.minimumf %min3A_680, %add3A_748 : vector<16xf32>
        %add3A_750 = arith.addf %add3A_748, %gather3A_529 : vector<16xf32>
        %min3A_751 = arith.minimumf %min3A_742, %add3A_750 : vector<16xf32>
        %mul3A_752 = arith.mulf %get3A_706, %gather3A_532 : vector<16xf32>
        %mul3A_753 = arith.mulf %get3A_711, %gather3A_535 : vector<16xf32>
        %add3A_754 = arith.addf %mul3A_752, %mul3A_753 : vector<16xf32>
        %mul3A_755 = arith.mulf %get3A_716, %gather3A_538 : vector<16xf32>
        %add3A_756 = arith.addf %add3A_754, %mul3A_755 : vector<16xf32>
        %add3A_757 = arith.addf %add3A_756, %get3A_721 : vector<16xf32>
        %min3A_758 = arith.minimumf %min3A_689, %add3A_757 : vector<16xf32>
        %add3A_759 = arith.addf %add3A_757, %gather3A_541 : vector<16xf32>
        %min3A_760 = arith.minimumf %min3A_751, %add3A_759 : vector<16xf32>
        %swap3A_761 = arith.index_cast %mul3A_701 : i32 to index
        %swap3A_762 = tpu.vector_load %arg7[%swap3A_761] {strides = array<i32>} : memref<2048xf32, #tpu.memory_space<vmem>>, vector<16xf32>,
        %swap3A_763 = vector.shape_cast %swap3A_762 : vector<16xf32> to vector<16xf32>
        %swap3A_764 = vector.shape_cast %min3A_760 : vector<16xf32> to vector<16xf32>
        tpu.vector_store %arg7[%swap3A_761], %swap3A_764 {strides = array<i32>} : memref<2048xf32, #tpu.memory_space<vmem>>, vector<16xf32>,
        scf.yield %min3A_731, %min3A_740, %min3A_749, %min3A_758 : vector<16xf32>, vector<16xf32>, vector<16xf32>, vector<16xf32>
      }
      %scan3A_549 = arith.constant 64 : i32
      %broadcast_in_dim3A_550 = vector.shape_cast %xor3A_63 : vector<16xi32> to vector<16x1xi32>
      %gather3A_551 = vector.shape_cast %broadcast_in_dim3A_550 : vector<16x1xi32> to vector<16xi32>
      %gather3A_552 = tpu.dynamic_gather %scan3A_548#0[%gather3A_551] in [0] : vector<16xf32>, vector<16xi32> -> vector<16xf32>
      %min3A_553 = arith.minimumf %scan3A_548#0, %gather3A_552 : vector<16xf32>
      %broadcast_in_dim3A_554 = vector.shape_cast %xor3A_66 : vector<16xi32> to vector<16x1xi32>
      %gather3A_555 = vector.shape_cast %broadcast_in_dim3A_554 : vector<16x1xi32> to vector<16xi32>
      %gather3A_556 = tpu.dynamic_gather %min3A_553[%gather3A_555] in [0] : vector<16xf32>, vector<16xi32> -> vector<16xf32>
      %min3A_557 = arith.minimumf %min3A_553, %gather3A_556 : vector<16xf32>
      %broadcast_in_dim3A_558 = vector.shape_cast %xor3A_69 : vector<16xi32> to vector<16x1xi32>
      %gather3A_559 = vector.shape_cast %broadcast_in_dim3A_558 : vector<16x1xi32> to vector<16xi32>
      %gather3A_560 = tpu.dynamic_gather %min3A_557[%gather3A_559] in [0] : vector<16xf32>, vector<16xi32> -> vector<16xf32>
      %min3A_561 = arith.minimumf %min3A_557, %gather3A_560 : vector<16xf32>
      %broadcast_in_dim3A_562 = vector.shape_cast %xor3A_72 : vector<16xi32> to vector<16x1xi32>
      %gather3A_563 = vector.shape_cast %broadcast_in_dim3A_562 : vector<16x1xi32> to vector<16xi32>
      %gather3A_564 = tpu.dynamic_gather %min3A_561[%gather3A_563] in [0] : vector<16xf32>, vector<16xi32> -> vector<16xf32>
      %min3A_565 = arith.minimumf %min3A_561, %gather3A_564 : vector<16xf32>
      %add3A_566 = arith.addf %min3A_565, %gather3A_505 : vector<16xf32>
      %add3A_567 = arith.addf %add3A_493, %add3A_566 : vector<16xf32>
      %broadcast_in_dim3A_568 = vector.shape_cast %xor3A_63 : vector<16xi32> to vector<16x1xi32>
      %gather3A_569 = vector.shape_cast %broadcast_in_dim3A_568 : vector<16x1xi32> to vector<16xi32>
      %gather3A_570 = tpu.dynamic_gather %scan3A_548#1[%gather3A_569] in [0] : vector<16xf32>, vector<16xi32> -> vector<16xf32>
      %min3A_571 = arith.minimumf %scan3A_548#1, %gather3A_570 : vector<16xf32>
      %broadcast_in_dim3A_572 = vector.shape_cast %xor3A_66 : vector<16xi32> to vector<16x1xi32>
      %gather3A_573 = vector.shape_cast %broadcast_in_dim3A_572 : vector<16x1xi32> to vector<16xi32>
      %gather3A_574 = tpu.dynamic_gather %min3A_571[%gather3A_573] in [0] : vector<16xf32>, vector<16xi32> -> vector<16xf32>
      %min3A_575 = arith.minimumf %min3A_571, %gather3A_574 : vector<16xf32>
      %broadcast_in_dim3A_576 = vector.shape_cast %xor3A_69 : vector<16xi32> to vector<16x1xi32>
      %gather3A_577 = vector.shape_cast %broadcast_in_dim3A_576 : vector<16x1xi32> to vector<16xi32>
      %gather3A_578 = tpu.dynamic_gather %min3A_575[%gather3A_577] in [0] : vector<16xf32>, vector<16xi32> -> vector<16xf32>
      %min3A_579 = arith.minimumf %min3A_575, %gather3A_578 : vector<16xf32>
      %broadcast_in_dim3A_580 = vector.shape_cast %xor3A_72 : vector<16xi32> to vector<16x1xi32>
      %gather3A_581 = vector.shape_cast %broadcast_in_dim3A_580 : vector<16x1xi32> to vector<16xi32>
      %gather3A_582 = tpu.dynamic_gather %min3A_579[%gather3A_581] in [0] : vector<16xf32>, vector<16xi32> -> vector<16xf32>
      %min3A_583 = arith.minimumf %min3A_579, %gather3A_582 : vector<16xf32>
      %add3A_584 = arith.addf %min3A_583, %gather3A_517 : vector<16xf32>
      %add3A_585 = arith.addf %add3A_567, %add3A_584 : vector<16xf32>
      %broadcast_in_dim3A_586 = vector.shape_cast %xor3A_63 : vector<16xi32> to vector<16x1xi32>
      %gather3A_587 = vector.shape_cast %broadcast_in_dim3A_586 : vector<16x1xi32> to vector<16xi32>
      %gather3A_588 = tpu.dynamic_gather %scan3A_548#2[%gather3A_587] in [0] : vector<16xf32>, vector<16xi32> -> vector<16xf32>
      %min3A_589 = arith.minimumf %scan3A_548#2, %gather3A_588 : vector<16xf32>
      %broadcast_in_dim3A_590 = vector.shape_cast %xor3A_66 : vector<16xi32> to vector<16x1xi32>
      %gather3A_591 = vector.shape_cast %broadcast_in_dim3A_590 : vector<16x1xi32> to vector<16xi32>
      %gather3A_592 = tpu.dynamic_gather %min3A_589[%gather3A_591] in [0] : vector<16xf32>, vector<16xi32> -> vector<16xf32>
      %min3A_593 = arith.minimumf %min3A_589, %gather3A_592 : vector<16xf32>
      %broadcast_in_dim3A_594 = vector.shape_cast %xor3A_69 : vector<16xi32> to vector<16x1xi32>
      %gather3A_595 = vector.shape_cast %broadcast_in_dim3A_594 : vector<16x1xi32> to vector<16xi32>
      %gather3A_596 = tpu.dynamic_gather %min3A_593[%gather3A_595] in [0] : vector<16xf32>, vector<16xi32> -> vector<16xf32>
      %min3A_597 = arith.minimumf %min3A_593, %gather3A_596 : vector<16xf32>
      %broadcast_in_dim3A_598 = vector.shape_cast %xor3A_72 : vector<16xi32> to vector<16x1xi32>
      %gather3A_599 = vector.shape_cast %broadcast_in_dim3A_598 : vector<16x1xi32> to vector<16xi32>
      %gather3A_600 = tpu.dynamic_gather %min3A_597[%gather3A_599] in [0] : vector<16xf32>, vector<16xi32> -> vector<16xf32>
      %min3A_601 = arith.minimumf %min3A_597, %gather3A_600 : vector<16xf32>
      %add3A_602 = arith.addf %min3A_601, %gather3A_529 : vector<16xf32>
      %add3A_603 = arith.addf %add3A_585, %add3A_602 : vector<16xf32>
      %broadcast_in_dim3A_604 = vector.shape_cast %xor3A_63 : vector<16xi32> to vector<16x1xi32>
      %gather3A_605 = vector.shape_cast %broadcast_in_dim3A_604 : vector<16x1xi32> to vector<16xi32>
      %gather3A_606 = tpu.dynamic_gather %scan3A_548#3[%gather3A_605] in [0] : vector<16xf32>, vector<16xi32> -> vector<16xf32>
      %min3A_607 = arith.minimumf %scan3A_548#3, %gather3A_606 : vector<16xf32>
      %broadcast_in_dim3A_608 = vector.shape_cast %xor3A_66 : vector<16xi32> to vector<16x1xi32>
      %gather3A_609 = vector.shape_cast %broadcast_in_dim3A_608 : vector<16x1xi32> to vector<16xi32>
      %gather3A_610 = tpu.dynamic_gather %min3A_607[%gather3A_609] in [0] : vector<16xf32>, vector<16xi32> -> vector<16xf32>
      %min3A_611 = arith.minimumf %min3A_607, %gather3A_610 : vector<16xf32>
      %broadcast_in_dim3A_612 = vector.shape_cast %xor3A_69 : vector<16xi32> to vector<16x1xi32>
      %gather3A_613 = vector.shape_cast %broadcast_in_dim3A_612 : vector<16x1xi32> to vector<16xi32>
      %gather3A_614 = tpu.dynamic_gather %min3A_611[%gather3A_613] in [0] : vector<16xf32>, vector<16xi32> -> vector<16xf32>
      %min3A_615 = arith.minimumf %min3A_611, %gather3A_614 : vector<16xf32>
      %broadcast_in_dim3A_616 = vector.shape_cast %xor3A_72 : vector<16xi32> to vector<16x1xi32>
      %gather3A_617 = vector.shape_cast %broadcast_in_dim3A_616 : vector<16x1xi32> to vector<16xi32>
      %gather3A_618 = tpu.dynamic_gather %min3A_615[%gather3A_617] in [0] : vector<16xf32>, vector<16xi32> -> vector<16xf32>
      %min3A_619 = arith.minimumf %min3A_615, %gather3A_618 : vector<16xf32>
      %add3A_620 = arith.addf %min3A_619, %gather3A_541 : vector<16xf32>
      %add3A_621 = arith.addf %add3A_603, %add3A_620 : vector<16xf32>
      scf.yield %add3A_621 : vector<16xf32>
    }
    %scan3A_85 = arith.constant 6 : i32
    %swap3A = arith.constant 0 : index
    %swap3A_86 = tpu.vector_load %arg9[%swap3A] {strides = array<i32>} : memref<16xf32, #tpu.memory_space<vmem>>, vector<16xf32>,
    %swap3A_87 = vector.shape_cast %swap3A_86 : vector<16xf32> to vector<16xf32>
    %swap3A_88 = vector.shape_cast %scan3A_84 : vector<16xf32> to vector<16xf32>
    tpu.vector_store %arg9[%swap3A], %swap3A_88 {strides = array<i32>} : memref<16xf32, #tpu.memory_space<vmem>>, vector<16xf32>,
    "tpu.region"() ({
      %run_scoped3A = tpu.sem_alloc : memref<!tpu.dma_semaphore, #tpu.memory_space<semaphore_mem>>
      %dma_start3A = arith.constant 0 : i32
      %dma_start3A_89 = tpu.memref_slice %arg4[%select_n3A, %select_n3A_30, %dma_start3A] : memref<8x4x2048xf32, #tpu.memory_space<hbm>> -> memref<1x1x2048xf32, #tpu.memory_space<hbm>>
      %dma_start3A_90 = tpu.memref_squeeze %dma_start3A_89 : memref<1x1x2048xf32, #tpu.memory_space<hbm>> -> memref<2048xf32, #tpu.memory_space<hbm>>
      %dma_start3A_91 = arith.constant 0 : i32
      %dma_start3A_92 = tpu.memref_slice %arg4[%select_n3A, %select_n3A_30, %dma_start3A_91] : memref<8x4x2048xf32, #tpu.memory_space<hbm>> -> memref<1x1x2048xf32, #tpu.memory_space<hbm>>
      %dma_start3A_93 = tpu.memref_squeeze %dma_start3A_92 : memref<1x1x2048xf32, #tpu.memory_space<hbm>> -> memref<2048xf32, #tpu.memory_space<hbm>>
      tpu.enqueue_dma source(%arg7 : memref<2048xf32, #tpu.memory_space<vmem>>) target(%dma_start3A_93 : memref<2048xf32, #tpu.memory_space<hbm>>) target_semaphore(%run_scoped3A : memref<!tpu.dma_semaphore, #tpu.memory_space<semaphore_mem>>)
      %dma_wait3A = arith.constant 0 : i32
      %dma_wait3A_94 = tpu.memref_slice %arg4[%select_n3A, %select_n3A_30, %dma_wait3A] : memref<8x4x2048xf32, #tpu.memory_space<hbm>> -> memref<1x1x2048xf32, #tpu.memory_space<hbm>>
      %dma_wait3A_95 = tpu.memref_squeeze %dma_wait3A_94 : memref<1x1x2048xf32, #tpu.memory_space<hbm>> -> memref<2048xf32, #tpu.memory_space<hbm>>
      %dma_wait3A_96 = arith.constant 0 : i32
      %dma_wait3A_97 = tpu.memref_slice %arg4[%select_n3A, %select_n3A_30, %dma_wait3A_96] : memref<8x4x2048xf32, #tpu.memory_space<hbm>> -> memref<1x1x2048xf32, #tpu.memory_space<hbm>>
      %dma_wait3A_98 = tpu.memref_squeeze %dma_wait3A_97 : memref<1x1x2048xf32, #tpu.memory_space<hbm>> -> memref<2048xf32, #tpu.memory_space<hbm>>
      tpu.wait_dma2 semaphore(%run_scoped3A : memref<!tpu.dma_semaphore, #tpu.memory_space<semaphore_mem>>) src(%arg7 : memref<2048xf32, #tpu.memory_space<vmem>>) dst(%dma_wait3A_98 : memref<2048xf32, #tpu.memory_space<hbm>>)
      tpu.yield
    }) : () -> ()
    "tpu.region"() ({
      %run_scoped3A = tpu.sem_alloc : memref<!tpu.dma_semaphore, #tpu.memory_space<semaphore_mem>>
      %dma_start3A = arith.constant 0 : i32
      %dma_start3A_89 = tpu.memref_slice %arg5[%select_n3A, %select_n3A_30, %dma_start3A] : memref<8x4x16xf32, #tpu.memory_space<hbm>> -> memref<1x1x16xf32, #tpu.memory_space<hbm>>
      %dma_start3A_90 = tpu.memref_squeeze %dma_start3A_89 : memref<1x1x16xf32, #tpu.memory_space<hbm>> -> memref<16xf32, #tpu.memory_space<hbm>>
      %dma_start3A_91 = arith.constant 0 : i32
      %dma_start3A_92 = tpu.memref_slice %arg5[%select_n3A, %select_n3A_30, %dma_start3A_91] : memref<8x4x16xf32, #tpu.memory_space<hbm>> -> memref<1x1x16xf32, #tpu.memory_space<hbm>>
      %dma_start3A_93 = tpu.memref_squeeze %dma_start3A_92 : memref<1x1x16xf32, #tpu.memory_space<hbm>> -> memref<16xf32, #tpu.memory_space<hbm>>
      tpu.enqueue_dma source(%arg9 : memref<16xf32, #tpu.memory_space<vmem>>) target(%dma_start3A_93 : memref<16xf32, #tpu.memory_space<hbm>>) target_semaphore(%run_scoped3A : memref<!tpu.dma_semaphore, #tpu.memory_space<semaphore_mem>>)
      %dma_wait3A = arith.constant 0 : i32
      %dma_wait3A_94 = tpu.memref_slice %arg5[%select_n3A, %select_n3A_30, %dma_wait3A] : memref<8x4x16xf32, #tpu.memory_space<hbm>> -> memref<1x1x16xf32, #tpu.memory_space<hbm>>
      %dma_wait3A_95 = tpu.memref_squeeze %dma_wait3A_94 : memref<1x1x16xf32, #tpu.memory_space<hbm>> -> memref<16xf32, #tpu.memory_space<hbm>>
      %dma_wait3A_96 = arith.constant 0 : i32
      %dma_wait3A_97 = tpu.memref_slice %arg5[%select_n3A, %select_n3A_30, %dma_wait3A_96] : memref<8x4x16xf32, #tpu.memory_space<hbm>> -> memref<1x1x16xf32, #tpu.memory_space<hbm>>
      %dma_wait3A_98 = tpu.memref_squeeze %dma_wait3A_97 : memref<1x1x16xf32, #tpu.memory_space<hbm>> -> memref<16xf32, #tpu.memory_space<hbm>>
      tpu.wait_dma2 semaphore(%run_scoped3A : memref<!tpu.dma_semaphore, #tpu.memory_space<semaphore_mem>>) src(%arg9 : memref<16xf32, #tpu.memory_space<vmem>>) dst(%dma_wait3A_98 : memref<16xf32, #tpu.memory_space<hbm>>)
      tpu.yield
    }) : () -> ()
    return
  }
}

module attributes {stable_mosaic.version = 14 : i64} {
  func.func @_finish_tc(%arg0: memref<8x4x1x2048xf32, #tpu.memory_space<vmem>>, %arg1: memref<8x4x1x416xf32, #tpu.memory_space<vmem>>, %arg2: memref<8x4x2048xf32, #tpu.memory_space<vmem>>, %arg3: memref<8x4x16xf32, #tpu.memory_space<vmem>>, %arg4: memref<1x1xf32, #tpu.memory_space<vmem>>) attributes {dimension_semantics = [], scalar_prefetch = 0 : i64, scratch_operands = 0 : i64, tpu.core_type = #tpu.core_type<tc>} {
    %get3A = arith.constant 0 : index
    %get3A_0 = arith.constant 0 : index
    %get3A_1 = arith.constant 0 : index
    %get3A_2 = arith.constant 0 : index
    %get3A_3 = vector.load %arg0[%get3A, %get3A_0, %get3A_1, %get3A_2] : memref<8x4x1x2048xf32, #tpu.memory_space<vmem>>, vector<8x1x1x2048xf32>
    %get3A_4 = vector.shape_cast %get3A_3 : vector<8x1x1x2048xf32> to vector<8x2048xf32>
    %get3A_5 = arith.constant 0 : index
    %get3A_6 = arith.constant 1 : index
    %get3A_7 = arith.constant 0 : index
    %get3A_8 = arith.constant 0 : index
    %get3A_9 = vector.load %arg0[%get3A_5, %get3A_6, %get3A_7, %get3A_8] : memref<8x4x1x2048xf32, #tpu.memory_space<vmem>>, vector<8x1x1x2048xf32>
    %get3A_10 = vector.shape_cast %get3A_9 : vector<8x1x1x2048xf32> to vector<8x2048xf32>
    %min3A = arith.minimumf %get3A_4, %get3A_10 : vector<8x2048xf32>
    %get3A_11 = arith.constant 0 : index
    %get3A_12 = arith.constant 2 : index
    %get3A_13 = arith.constant 0 : index
    %get3A_14 = arith.constant 0 : index
    %get3A_15 = vector.load %arg0[%get3A_11, %get3A_12, %get3A_13, %get3A_14] : memref<8x4x1x2048xf32, #tpu.memory_space<vmem>>, vector<8x1x1x2048xf32>
    %get3A_16 = vector.shape_cast %get3A_15 : vector<8x1x1x2048xf32> to vector<8x2048xf32>
    %min3A_17 = arith.minimumf %min3A, %get3A_16 : vector<8x2048xf32>
    %get3A_18 = arith.constant 0 : index
    %get3A_19 = arith.constant 3 : index
    %get3A_20 = arith.constant 0 : index
    %get3A_21 = arith.constant 0 : index
    %get3A_22 = vector.load %arg0[%get3A_18, %get3A_19, %get3A_20, %get3A_21] : memref<8x4x1x2048xf32, #tpu.memory_space<vmem>>, vector<8x1x1x2048xf32>
    %get3A_23 = vector.shape_cast %get3A_22 : vector<8x1x1x2048xf32> to vector<8x2048xf32>
    %min3A_24 = arith.minimumf %min3A_17, %get3A_23 : vector<8x2048xf32>
    %get3A_25 = arith.constant 0 : index
    %get3A_26 = arith.constant 0 : index
    %get3A_27 = arith.constant 0 : index
    %get3A_28 = vector.load %arg2[%get3A_25, %get3A_26, %get3A_27] : memref<8x4x2048xf32, #tpu.memory_space<vmem>>, vector<8x1x2048xf32>
    %get3A_29 = vector.shape_cast %get3A_28 : vector<8x1x2048xf32> to vector<8x2048xf32>
    %min3A_30 = arith.minimumf %min3A_24, %get3A_29 : vector<8x2048xf32>
    %get3A_31 = arith.constant 0 : index
    %get3A_32 = arith.constant 1 : index
    %get3A_33 = arith.constant 0 : index
    %get3A_34 = vector.load %arg2[%get3A_31, %get3A_32, %get3A_33] : memref<8x4x2048xf32, #tpu.memory_space<vmem>>, vector<8x1x2048xf32>
    %get3A_35 = vector.shape_cast %get3A_34 : vector<8x1x2048xf32> to vector<8x2048xf32>
    %min3A_36 = arith.minimumf %min3A_30, %get3A_35 : vector<8x2048xf32>
    %get3A_37 = arith.constant 0 : index
    %get3A_38 = arith.constant 2 : index
    %get3A_39 = arith.constant 0 : index
    %get3A_40 = vector.load %arg2[%get3A_37, %get3A_38, %get3A_39] : memref<8x4x2048xf32, #tpu.memory_space<vmem>>, vector<8x1x2048xf32>
    %get3A_41 = vector.shape_cast %get3A_40 : vector<8x1x2048xf32> to vector<8x2048xf32>
    %min3A_42 = arith.minimumf %min3A_36, %get3A_41 : vector<8x2048xf32>
    %get3A_43 = arith.constant 0 : index
    %get3A_44 = arith.constant 3 : index
    %get3A_45 = arith.constant 0 : index
    %get3A_46 = vector.load %arg2[%get3A_43, %get3A_44, %get3A_45] : memref<8x4x2048xf32, #tpu.memory_space<vmem>>, vector<8x1x2048xf32>
    %get3A_47 = vector.shape_cast %get3A_46 : vector<8x1x2048xf32> to vector<8x2048xf32>
    %min3A_48 = arith.minimumf %min3A_42, %get3A_47 : vector<8x2048xf32>
    %reduce_sum3A = vector.shape_cast %min3A_48 : vector<8x2048xf32> to vector<1x8x2048xf32>
    %reduce_sum3A_49 = arith.constant dense<0.000000e+00> : vector<1xf32>
    %reduce_sum3A_50 = vector.multi_reduction <add>, %reduce_sum3A, %reduce_sum3A_49 [1, 2] : vector<1x8x2048xf32> to vector<1xf32>
    %reduce_sum3A_51 = vector.shape_cast %reduce_sum3A_50 : vector<1xf32> to vector<1x1x1xf32>
    %reduce_sum3A_52 = vector.extract %reduce_sum3A_51[0, 0, 0] : f32 from vector<1x1x1xf32>
    %get3A_53 = arith.constant 0 : index
    %get3A_54 = arith.constant 0 : index
    %get3A_55 = arith.constant 0 : index
    %get3A_56 = arith.constant 0 : index
    %get3A_57 = vector.load %arg1[%get3A_53, %get3A_54, %get3A_55, %get3A_56] : memref<8x4x1x416xf32, #tpu.memory_space<vmem>>, vector<8x4x1x416xf32>
    %reduce_sum3A_58 = vector.shape_cast %get3A_57 : vector<8x4x1x416xf32> to vector<1x8x4x1x416xf32>
    %reduce_sum3A_59 = arith.constant dense<0.000000e+00> : vector<1xf32>
    %reduce_sum3A_60 = vector.multi_reduction <add>, %reduce_sum3A_58, %reduce_sum3A_59 [1, 2, 3, 4] : vector<1x8x4x1x416xf32> to vector<1xf32>
    %reduce_sum3A_61 = vector.shape_cast %reduce_sum3A_60 : vector<1xf32> to vector<1x1x1x1x1xf32>
    %reduce_sum3A_62 = vector.extract %reduce_sum3A_61[0, 0, 0, 0, 0] : f32 from vector<1x1x1x1x1xf32>
    %add3A = arith.addf %reduce_sum3A_52, %reduce_sum3A_62 : f32
    %get3A_63 = arith.constant 0 : index
    %get3A_64 = arith.constant 0 : index
    %get3A_65 = arith.constant 0 : index
    %get3A_66 = vector.load %arg3[%get3A_63, %get3A_64, %get3A_65] : memref<8x4x16xf32, #tpu.memory_space<vmem>>, vector<8x4x16xf32>
    %reduce_sum3A_67 = vector.shape_cast %get3A_66 : vector<8x4x16xf32> to vector<1x8x4x16xf32>
    %reduce_sum3A_68 = arith.constant dense<0.000000e+00> : vector<1xf32>
    %reduce_sum3A_69 = vector.multi_reduction <add>, %reduce_sum3A_67, %reduce_sum3A_68 [1, 2, 3] : vector<1x8x4x16xf32> to vector<1xf32>
    %reduce_sum3A_70 = vector.shape_cast %reduce_sum3A_69 : vector<1xf32> to vector<1x1x1x1xf32>
    %reduce_sum3A_71 = vector.extract %reduce_sum3A_70[0, 0, 0, 0] : f32 from vector<1x1x1x1xf32>
    %div3A = arith.constant 1.600000e+01 : f32
    %div3A_72 = arith.divf %reduce_sum3A_71, %div3A : f32
    %add3A_73 = arith.addf %add3A, %div3A_72 : f32
    %div3A_74 = arith.constant 1.638400e+04 : f32
    %div3A_75 = arith.divf %add3A_73, %div3A_74 : f32
    %broadcast_in_dim3A = vector.broadcast %div3A_75 : f32 to vector<1x1xf32>
    %swap3A = arith.constant 0 : index
    %swap3A_76 = arith.constant 0 : index
    %swap3A_77 = vector.load %arg4[%swap3A, %swap3A_76] : memref<1x1xf32, #tpu.memory_space<vmem>>, vector<1x1xf32>
    tpu.vector_store %arg4[%swap3A, %swap3A_76], %broadcast_in_dim3A {strides = array<i32>} : memref<1x1xf32, #tpu.memory_space<vmem>>, vector<1x1xf32>,
    return
  }
}

module attributes {stable_mosaic.version = 14 : i64} {
  func.func @_chamfer_tc_body(%arg0: i32, %arg1: i32, %arg2: memref<1x416x3xbf16, #tpu.memory_space<vmem>>, %arg3: memref<1x2048x3xbf16, #tpu.memory_space<vmem>>, %arg4: memref<1x1x1x416xf32, #tpu.memory_space<vmem>>, %arg5: memref<1x1x2048xf32, #tpu.memory_space<vmem>>, %arg6: memref<1x1x1x416xf32, #tpu.memory_space<vmem>>, %arg7: memref<1x1x1x2048xf32, #tpu.memory_space<vmem>>) attributes {dimension_semantics = [#tpu.dimension_semantics<arbitrary>, #tpu.dimension_semantics<arbitrary>], iteration_bounds = array<i64: 8, 4>, scalar_prefetch = 0 : i64, scratch_operands = 0 : i64, tpu.core_type = #tpu.core_type<tc>, window_params = [{transform_indices = @transform_0, window_bounds = array<i64: 1, 416, 3>}, {transform_indices = @transform_1, window_bounds = array<i64: 1, 2048, 3>}, {transform_indices = @transform_2, window_bounds = array<i64: 1, 1, 1, 416>}, {transform_indices = @transform_3, window_bounds = array<i64: 1, 1, 2048>}, {transform_indices = @transform_4, window_bounds = array<i64: 1, 1, 1, 416>}, {transform_indices = @transform_5, window_bounds = array<i64: 1, 1, 1, 2048>}]} {
    %get3A = arith.constant 0 : index
    %get3A_0 = arith.constant 0 : index
    %get3A_1 = arith.constant 0 : index
    %get3A_2 = vector.load %arg2[%get3A, %get3A_0, %get3A_1] : memref<1x416x3xbf16, #tpu.memory_space<vmem>>, vector<1x416x3xbf16>
    %get3A_3 = vector.shape_cast %get3A_2 : vector<1x416x3xbf16> to vector<416x3xbf16>
    %get3A_4 = arith.constant 0 : index
    %get3A_5 = arith.constant 0 : index
    %get3A_6 = arith.constant 0 : index
    %get3A_7 = vector.load %arg3[%get3A_4, %get3A_5, %get3A_6] : memref<1x2048x3xbf16, #tpu.memory_space<vmem>>, vector<1x2048x3xbf16>
    %get3A_8 = vector.shape_cast %get3A_7 : vector<1x2048x3xbf16> to vector<2048x3xbf16>
    %dot_general3A = arith.constant dense<0.000000e+00> : vector<416x2048xf32>
    %dot_general3A_9 = tpu.matmul %get3A_3, %get3A_8, %dot_general3A {dimension_numbers = #tpu.dot_dimension_numbers<[1], [1], [0], [0], [0, 0, 1, 0], [], []>, transpose_lhs_hint = false} : vector<416x3xbf16>, vector<2048x3xbf16>, vector<416x2048xf32> -> vector<416x2048xf32>
    %mul3A = arith.constant -2.000000e+00 : f32
    %mul3A_10 = vector.broadcast %mul3A : f32 to vector<416x2048xf32>
    %mul3A_11 = arith.mulf %mul3A_10, %dot_general3A_9 : vector<416x2048xf32>
    %get3A_12 = arith.constant 0 : index
    %get3A_13 = arith.constant 0 : index
    %get3A_14 = arith.constant 0 : index
    %get3A_15 = arith.constant 0 : index
    %get3A_16 = vector.load %arg4[%get3A_12, %get3A_13, %get3A_14, %get3A_15] : memref<1x1x1x416xf32, #tpu.memory_space<vmem>>, vector<1x1x1x416xf32>
    %get3A_17 = vector.shape_cast %get3A_16 : vector<1x1x1x416xf32> to vector<416xf32>
    %broadcast_in_dim3A = vector.shape_cast %get3A_17 : vector<416xf32> to vector<416x1xf32>
    %add3A = vector.broadcast %broadcast_in_dim3A : vector<416x1xf32> to vector<416x2048xf32>
    %add3A_18 = arith.addf %mul3A_11, %add3A : vector<416x2048xf32>
    %get3A_19 = arith.constant 0 : index
    %get3A_20 = arith.constant 0 : index
    %get3A_21 = arith.constant 0 : index
    %get3A_22 = vector.load %arg5[%get3A_19, %get3A_20, %get3A_21] : memref<1x1x2048xf32, #tpu.memory_space<vmem>>, vector<1x1x2048xf32>
    %get3A_23 = vector.shape_cast %get3A_22 : vector<1x1x2048xf32> to vector<2048xf32>
    %broadcast_in_dim3A_24 = vector.shape_cast %get3A_23 : vector<2048xf32> to vector<1x2048xf32>
    %add3A_25 = vector.broadcast %broadcast_in_dim3A_24 : vector<1x2048xf32> to vector<416x2048xf32>
    %add3A_26 = arith.addf %add3A_18, %add3A_25 : vector<416x2048xf32>
    %reduce_min3A = arith.constant dense<0x7F800000> : vector<416xf32>
    %reduce_min3A_27 = vector.multi_reduction <minimumf>, %add3A_26, %reduce_min3A [1] : vector<416x2048xf32> to vector<416xf32>
    %swap3A = arith.constant 0 : index
    %swap3A_28 = arith.constant 0 : index
    %swap3A_29 = arith.constant 0 : index
    %swap3A_30 = arith.constant 0 : index
    %swap3A_31 = vector.load %arg6[%swap3A, %swap3A_28, %swap3A_29, %swap3A_30] : memref<1x1x1x416xf32, #tpu.memory_space<vmem>>, vector<1x1x1x416xf32>
    %swap3A_32 = vector.shape_cast %swap3A_31 : vector<1x1x1x416xf32> to vector<416xf32>
    %swap3A_33 = vector.shape_cast %reduce_min3A_27 : vector<416xf32> to vector<1x1x1x416xf32>
    tpu.vector_store %arg6[%swap3A, %swap3A_28, %swap3A_29, %swap3A_30], %swap3A_33 {strides = array<i32>} : memref<1x1x1x416xf32, #tpu.memory_space<vmem>>, vector<1x1x1x416xf32>,
    %reduce_min3A_34 = arith.constant dense<0x7F800000> : vector<2048xf32>
    %reduce_min3A_35 = vector.multi_reduction <minimumf>, %add3A_26, %reduce_min3A_34 [0] : vector<416x2048xf32> to vector<2048xf32>
    %swap3A_36 = arith.constant 0 : index
    %swap3A_37 = arith.constant 0 : index
    %swap3A_38 = arith.constant 0 : index
    %swap3A_39 = arith.constant 0 : index
    %swap3A_40 = vector.load %arg7[%swap3A_36, %swap3A_37, %swap3A_38, %swap3A_39] : memref<1x1x1x2048xf32, #tpu.memory_space<vmem>>, vector<1x1x1x2048xf32>
    %swap3A_41 = vector.shape_cast %swap3A_40 : vector<1x1x1x2048xf32> to vector<2048xf32>
    %swap3A_42 = vector.shape_cast %reduce_min3A_35 : vector<2048xf32> to vector<1x1x1x2048xf32>
    tpu.vector_store %arg7[%swap3A_36, %swap3A_37, %swap3A_38, %swap3A_39], %swap3A_42 {strides = array<i32>} : memref<1x1x1x2048xf32, #tpu.memory_space<vmem>>, vector<1x1x1x2048xf32>,
    return
  }
  func.func @transform_0(%arg0: i32, %arg1: i32) -> (i32, i32, i32) {
    %c0_i32 = arith.constant 0 : i32
    %c0_i32_0 = arith.constant 0 : i32
    return %arg0, %arg1, %c0_i32 : i32, i32, i32
  }
  func.func @transform_1(%arg0: i32, %arg1: i32) -> (i32, i32, i32) {
    %c0_i32 = arith.constant 0 : i32
    %c0_i32_0 = arith.constant 0 : i32
    %c0_i32_1 = arith.constant 0 : i32
    return %arg0, %c0_i32, %c0_i32_0 : i32, i32, i32
  }
  func.func @transform_2(%arg0: i32, %arg1: i32) -> (i32, i32, i32, i32) {
    %c0_i32 = arith.constant 0 : i32
    %c0_i32_0 = arith.constant 0 : i32
    %c0_i32_1 = arith.constant 0 : i32
    return %arg0, %arg1, %c0_i32, %c0_i32_0 : i32, i32, i32, i32
  }
  func.func @transform_3(%arg0: i32, %arg1: i32) -> (i32, i32, i32) {
    %c0_i32 = arith.constant 0 : i32
    %c0_i32_0 = arith.constant 0 : i32
    %c0_i32_1 = arith.constant 0 : i32
    return %arg0, %c0_i32, %c0_i32_0 : i32, i32, i32
  }
  func.func @transform_4(%arg0: i32, %arg1: i32) -> (i32, i32, i32, i32) {
    %c0_i32 = arith.constant 0 : i32
    %c0_i32_0 = arith.constant 0 : i32
    %c0_i32_1 = arith.constant 0 : i32
    return %arg0, %arg1, %c0_i32, %c0_i32_0 : i32, i32, i32, i32
  }
  func.func @transform_5(%arg0: i32, %arg1: i32) -> (i32, i32, i32, i32) {
    %c0_i32 = arith.constant 0 : i32
    %c0_i32_0 = arith.constant 0 : i32
    %c0_i32_1 = arith.constant 0 : i32
    return %arg0, %arg1, %c0_i32, %c0_i32_0 : i32, i32, i32, i32
  }
}

</mosaic_0001>

<sc_bundles>
// kernel: kernel.5.cloned.1.call-start
scs
__scs_entry_jumppad:
0x0: {  	(pc) =	sbr.rel $0x88, $3  }
0x1: {  	(tag) =	ssettag $0x0;
	lr =	simm.s32 $0x1  }
0x2: {  	[smem:$0x3F9F] =	sst lr;
	_ =	strace $0xD0000000  }
0x3: {  	_ = 	snop  }
0x4: {  	_ = 	snop  }
0x5: {  	_ = 	snop  }
0x6: {  	_ = 	snop  }
0x7: {  	_ = 	snop  }
__scs_overlays_trampoline_lowered:
0x8: {  	[smem:$0x3FAE] =	sst s0  }
0x9: {  	[smem:$0x3FAF] =	sst s1  }
0xa: {  	[smem:$0x3FB0] =	sst s2  }
0xb: {  	[smem:$0x3FB1] =	sst s3  }
0xc: {  	[smem:$0x3FB2] =	sst s4  }
0xd: {  	[smem:$0x3FB3] =	sst s5  }
0xe: {  	[smem:$0x3FB4] =	sst s6  }
0xf: {  	[smem:$0x3FB5] =	sst s7  }
0x10: {  	[smem:$0x3FB6] =	sst s8  }
0x11: {  	[smem:$0x3FB7] =	sst s9;
	s0 =	simm.s32 @!p0 $0x0  }
0x12: {  	s1 =	sld [smem:$0x3F9D];
	s0 =	simm.s32 @p0 $0x1  }
0x13: {  	[smem:$0x3FB8] =	sst s0;
	s0 =	simm.s32 @!p1 $0x0  }
0x14: {  	s2 =	sld [smem:$0x3F9C];
	s0 =	simm.s32 @p1 $0x1  }
0x15: {  	[smem:$0x3FB9] =	sst s0;
	s0 =	simm.s32 @!p2 $0x0  }
0x16: {  	s3 =	sld [smem:$0x3FDB];
	s0 =	simm.s32 @p2 $0x1  }
0x17: {  	s4 =	simm.s32 $0x1BF5;
	[smem:$0x3FBB] =	sst s0  }
0x18: {  	s0 =	sld [smem:$0x3F9E];
	_ =	swait.ge [sflag:s4], $0x0  }
0x19: {  	s7 =	sld [smem:$0x3F9F]  }
0x1a: {  	s8 =	sadd.s32 $0xFFFFE003, lr  }
0x1b: {  	s9 =	sadd.s32 $0xFFFFFEF7, lr;
	s5 =	simm.s32 $0xFFFFFFFF;
	p2 =	slt.u32 s8, $0xFFFFF086  }
0x1c: {  	p1 =	slt.u32 s9, $0xF7A;
	s5 =	simm.s32 @!p2 $0x0  }
0x1d: {  	s5 =	simm.s32 @p1 $0x1;
	p0 =	seq.s32 s7, s2  }
0x1e: {  	s7 =	smul.u32 @!p0 $0xF7A, s2;
	p2 =	seq.s32 @!p0 s5, $0x0  }
0x1f: {  	s9 =	smul.u32 $0xF7A, s1;
	s8 =	simm.s32 @!p0 $0x1BF5;
	p2 =	por !p2, p0  }
0x20: {  	[sflag:s8] =	ssyncset.s32 @!p0 $0xFFFFF086;
	s6 =	sadd.s32 @!p0 s3, s7;
	s7 =	simm.s32 @!p0 $0x108  }
0x21: {  	s3 =	sadd.s32 s3, s9;
	s6 =	sadd.s32 @!p0 $0x88, s6;
	s7 =	simm.s32 @p2 $0x1082  }
0x22: {  	[simem:s7], [sflag:s8] =	dma.local @!p0 [hbm:s6], $0xF7A  }
0x23: {  	s9 =	sor.u32 $0xD0000000, s2;
	s6 =	simm.s32 $0x108;
	_ =	swait.ge @!p0 [sflag:s8], $0x0  }
0x24: {  	s3 =	sadd.s32 $0x88, s3;
	s6 =	simm.s32 @!p1 $0x1082;
	[sflag:s4] =	ssyncset.s32 $0xFFFFF086  }
0x25: {  	[simem:s6], [sflag:s4] =	dma.local [hbm:s3], $0xF7A  }
0x26: {  	[smem:$0x3F9F] =	sst s1;
	(tag) =	ssettag s2;
	_ =	strace s9  }
0x27: {  	s1 =	sld [smem:$0x3FAF]  }
0x28: {  	s2 =	sld [smem:$0x3FB0]  }
0x29: {  	s4 =	sld [smem:$0x3FB2]  }
0x2a: {  	p0 =	seq.s32 s5, $0x0;
	s5 =	sld [smem:$0x3FB3]  }
0x2b: {  	s6 =	sld [smem:$0x3FB4]  }
0x2c: {  	s7 =	sld [smem:$0x3FB5]  }
0x2d: {  	s3 =	simm.s32 $0x108;
	s8 =	sld [smem:$0x3FB6]  }
0x2e: {  	s3 =	simm.s32 @!p0 $0x1082;
	s9 =	sld [smem:$0x3FB7]  }
0x2f: {  	lr =	sadd.s32 s0, s3;
	s0 =	sld [smem:$0x3FAE]  }
0x30: {  	s3 =	sld [smem:$0x3FB1]  }
0x31: {  	[smem:$0x3FBA] =	sst s10  }
0x32: {  	s10 =	sld [smem:$0x3FB8];
	_ =	sdelay $0x3  }
0x33: {  	p0 =	seq.s32 s10, $0x1;
	s10 =	sld [smem:$0x3FBA];
	_ =	sdelay $0x3  }
0x34: {  	[smem:$0x3FBA] =	sst s10  }
0x35: {  	s10 =	sld [smem:$0x3FB9];
	_ =	sdelay $0x3  }
0x36: {  	p1 =	seq.s32 s10, $0x1;
	s10 =	sld [smem:$0x3FBA];
	_ =	sdelay $0x3  }
0x37: {  	[smem:$0x3FBA] =	sst s10  }
0x38: {  	s10 =	sld [smem:$0x3FBB]  }
0x39: {  	_ = 	snop;
	(pc) =	sbr.ind lr, $3  }
0x3a: {  	_ = 	snop  }
0x3b: {  	_ = 	snop  }
0x3c: {  	p2 =	seq.s32 s10, $0x1;
	s10 =	sld [smem:$0x3FBA]  }
0x3d: {  	_ =	shalt  }
0x3e: {  	_ =	shalt  }
0x3f: {  	_ =	shalt  }
0x40: {  	_ =	shalt  }
0x41: {  	_ =	shalt  }
0x42: {  	_ =	shalt  }
0x43: {  	_ =	shalt  }
0x44: {  	_ =	shalt  }
0x45: {  	_ =	shalt  }
0x46: {  	_ =	shalt  }
0x47: {  	_ =	shalt  }
0x48: {  	_ =	shalt  }
0x49: {  	_ =	shalt  }
0x4a: {  	_ =	shalt  }
0x4b: {  	_ =	shalt  }
0x4c: {  	_ =	shalt  }
0x4d: {  	_ =	shalt  }
0x4e: {  	_ =	shalt  }
0x4f: {  	_ =	shalt  }
0x50: {  	_ =	shalt  }
0x51: {  	_ =	shalt  }
0x52: {  	_ =	shalt  }
0x53: {  	_ =	shalt  }
0x54: {  	_ =	shalt  }
0x55: {  	_ =	shalt  }
0x56: {  	_ =	shalt  }
0x57: {  	_ =	shalt  }
0x58: {  	_ =	shalt  }
0x59: {  	_ =	shalt  }
0x5a: {  	_ =	shalt  }
0x5b: {  	_ =	shalt  }
0x5c: {  	_ =	shalt  }
0x5d: {  	_ =	shalt  }
0x5e: {  	_ =	shalt  }
0x5f: {  	_ =	shalt  }
0x60: {  	_ =	shalt  }
0x61: {  	_ =	shalt  }
0x62: {  	_ =	shalt  }
0x63: {  	_ =	shalt  }
0x64: {  	_ =	shalt  }
0x65: {  	_ =	shalt  }
0x66: {  	_ =	shalt  }
0x67: {  	_ =	shalt  }
0x68: {  	_ =	shalt  }
0x69: {  	_ =	shalt  }
0x6a: {  	_ =	shalt  }
0x6b: {  	_ =	shalt  }
0x6c: {  	_ =	shalt  }
0x6d: {  	_ =	shalt  }
0x6e: {  	_ =	shalt  }
0x6f: {  	_ =	shalt  }
0x70: {  	_ =	shalt  }
0x71: {  	_ =	shalt  }
0x72: {  	_ =	shalt  }
0x73: {  	_ =	shalt  }
0x74: {  	_ =	shalt  }
0x75: {  	_ =	shalt  }
0x76: {  	_ =	shalt  }
0x77: {  	_ =	shalt  }
0x78: {  	_ =	shalt  }
0x79: {  	_ =	shalt  }
0x7a: {  	_ =	shalt  }
0x7b: {  	_ =	shalt  }
0x7c: {  	_ =	shalt  }
0x7d: {  	_ =	shalt  }
0x7e: {  	_ =	shalt  }
0x7f: {  	_ =	shalt  }
0x80: {  	_ =	shalt  }
0x81: {  	_ =	shalt  }
0x82: {  	_ =	shalt  }
0x83: {  	_ =	shalt  }
0x84: {  	_ =	shalt  }
0x85: {  	_ =	shalt  }
0x86: {  	_ =	shalt  }
0x87: {  	_ =	shalt  }
.Lfunc_end0:
.L_simem_size_0:
called_computation_lowered:
.L_overlay_start_0:
0x88: {  	s2 =	sld [smem:$0x3FD9]  }
0x89: {  	s3 =	sld [smem:$0x3FFE];
	_ =	sdelay $0x1  }
0x8a: {  	s1 =	srdreg.scid  }
0x8b: {  	s0 =	sand.u32 $0x1, s1  }
0x8c: {  	s16 =	sshll.u32 s0, $0xA;
	s2 =	sadd.s32 s3, s2  }
0x8d: {  	s2 =	sadd.s32 s2, s16  }
0x8e: {  	[smem:$0x3FC6] =	sst s2  }
0x8f: {  	_ = 	snop  }
0x90: {  	(tm) =	ssettm $0x1  }
0x91: {  	s17 =	sld [smem:$0x3FFB];
	_ =	sdelay $0x3  }
0x92: {  	_ =	strace s17  }
0x93: {  	s2 =	sld [smem:$0x3FFC];
	_ =	sdelay $0x3  }
0x94: {  	_ =	strace s2  }
0x95: {  	s2 =	sld [smem:$0x3FFD];
	_ =	sdelay $0x3  }
0x96: {  	_ =	strace s2  }
0x97: {  	_ =	strace $0x8FFFFFFF  }
0x98: {  	s18 =	sld [smem:$0x3FDB];
	_ =	sdelay $0x1  }
0x99: {  	s19 =	simm.s32 $_scs_section_size  }
0x9a: {  	s4 =	simm.s32 $_size__tile_overlayer_lowered;
	s5 =	simm.s32 $_tile_overlayer_lowered  }
0x9b: {  	s22 =	simm.s32 $0x1BFF;
	s21 =	sshll.u32 s5, $0x1;
	s2 =	sadd.s32 s19, s18  }
0x9c: {  	s6 =	simm.s32 $0x0;
	s20 =	sshll.u32 s4, $0x1;
	s4 =	sadd.s32 s21, s2  }
0x9d: {  	[timem:s6], [sflag:s22] =	dma.local [hbm:s4], s20  }
0x9e: {  	_ =	swait.ge [sflag:s22], s20  }
0x9f: {  	s3 =	ssub.s32 $0x0, s20;
	[sflag:s22] =	ssyncset.done $0x0  }
0xa0: {  	[sflag:s22] =	ssyncadd.s32 s3;
	_ =	sdelay $0x1  }
0xa1: {  	s23 =	simm.s32 $0x1B8B  }
0xa2: {  	_ =	swait.ge [sflag:s23], $0x1  }
0xa3: {  	[sflag:s23] =	ssyncset.done $0x0  }
0xa4: {  	s25 =	simm.s32 $0x1B8E;
	s24 =	sld [smem:$0x3FFE];
	[sflag:s23] =	ssyncadd.s32 $0xFFFFFFFF  }
0xa5: {  	s26 =	simm.s32 $execute0_lowered;
	[smem:$0x3FD2] =	sst s25  }
0xa6: {  	s4 =	sshll.u32 s26, $0x1;
	_ =	strace $0x80000046;
	[dreg:$0x1] =	wrdreg $0xFFFFFFFF  }
0xa7: {  	s28 =	simm.s32 $_size_execute0_lowered;
	s2 =	sadd.s32 s2, s4;
	[dreg:$0x0] =	wrdreg $0x0  }
0xa8: {  	s4 =	sshll.u32 s28, $0x1;
	[dreg:$0x2] =	wrdreg s2  }
0xa9: {  	[dreg:$0x3] =	wrdreg s4  }
0xaa: {  	[dreg:$0x4] =	wrdreg $0xC0  }
0xab: {  	_ =	task [dreg:s6], $0x5FFFF  }
0xac: {  	[dreg:$0x1] =	wrdreg $0xFFFFFFFF  }
0xad: {  	[dreg:$0x0] =	wrdreg $0x60  }
0xae: {  	[dreg:$0x2] =	wrdreg s24  }
0xaf: {  	[dreg:$0x3] =	wrdreg $0x9  }
0xb0: {  	_ =	task.clear_ibuf [dreg:s6], $0x4FFFF;
	_ =	strace $0x90000046  }
0xb1: {  	s29 =	simm.s32 $0x9;
	_ =	strace $0x80000048  }
0xb2: {  	_ =	swait.ge [sflag:s29], $0x1  }
0xb3: {  	[sflag:s29] =	ssyncadd.s32 $0xFFFFFFFF  }
0xb4: {  	_ =	strace $0x90000048  }
0xb5: {  	_ =	sfence  }
0xb6: {  	s30 =	sld [smem:$0x0];
	_ =	sdelay $0x2  }
0xb7: {  	s31 =	sshll.u32 s1, $0xD;
	s1 =	sshrl.u32 s1, $0x2  }
0xb8: {  	s3 =	sand.u32 $0x4000, s31;
	s1 =	sadd.s32 s1, s30  }
0xb9: {  	s0 =	sor.u32 s3, s0;
	s1 =	sshll.u32 s1, $0x11  }
0xba: {  	s0 =	sor.u32 s1, s0  }
0xbb: {  	s0 =	sadd.s32 $0x8F2B, s0  }
0xbc: {  	[sflag:s0] =	ssyncadd.remote.s32 $0x1  }
0xbd: {  	_ =	sfence.sel $0xFFFF  }
0xbe: {  	[dreg:$0x0] =	wrdreg $0xFFFFFFFF;
	(pc) =	sbr.abs _section_cstart, $3  }
0xbf: {  	[dreg:$0x1] =	wrdreg $0xFFFFFFFF  }
0xc0: {  	_ =	task.clear_ibuf [dreg:s6], $0x2FFFF;
	_ =	strace $0x9FFFFFFF  }
0xc1: {  	(tm) =	ssettm $0x7FFFFFFF  }
tec
execute0_lowered:
.L_overlay_start_1:
0x0: {  	(tag) =	ssettag $0x1  }
0x1: {  	s3 =	rddreg [dreg:$0x0];
	s1 =	simm.s32 $0x0;
	s0 =	stileid.u32  }
0x2: {  	v0 =	vimm.s32 $0xFEDCBA98;
	v1 =	vimm.s32 $0x76543210;
	s4 =	srdreg.scid;
	s2 =	rddreg [dreg:$0x1];
	s11 =	simm.s32 $0x200  }
0x3: {  	v2 =	vimm.s32 $0xBA98FEDC;
	v3 =	vimm.s32 $0x32107654;
	s12 =	simm.s32 $0x2000;
	s13 =	simm.s32 $0x2A00;
	s14 =	simm.s32 $0x0  }
0x4: {  	v4 =	vimm.s32 $0xDCFE98BA;
	v5 =	vimm.s32 $0x54761032;
	[smem:$0x7FF] =	sst s1;
	s5 =	sshll.u32 s0, $0x1;
	s4 =	sand.u32 $0x1, s4  }
0x5: {  	v6 =	vimm.s32 $0xEFCDAB89;
	v7 =	vimm.s32 $0x67452301;
	s6 =	sshrl.u32 s0, $0x1;
	s5 =	sand.u32 $0x2, s5;
	_ =	strace $0x80000047  }
0x6: {  	v0 =	vunpack.c.l.s4.s8 v0;
	v1 =	vunpack.c.l.s4.s8 v1;
	v2 =	vunpack.c.l.s4.s8 v2;
	s7 =	sshll.u32 s6, $0x8;
	s8 =	sshll.u32 s6, $0xD;
	s10 =	sshll.u32 s6, $0xA  }
0x7: {  	v3 =	vunpack.c.l.s4.s8 v3;
	v4 =	vunpack.c.l.s4.s8 v4;
	v5 =	vunpack.c.l.s4.s8 v5;
	s6 =	sshll.u32 s6, $0x9;
	s5 =	sor.u32 s4, s5;
	s7 =	sadd.s32 s7, s3  }
0x8: {  	v6 =	vunpack.c.l.s4.s8 v6;
	v7 =	vunpack.c.l.s4.s8 v7;
	v0 =	vunpack.c.0.s8.s32 v0;
	s10 =	sadd.s32 s10, s3;
	s4 =	ssub.s32 $0x2, s4;
	s9 =	sshll.u32 s5, $0x7  }
0x9: {  	v2 =	vunpack.c.0.s8.s32 v2;
	v3 =	vunpack.c.0.s8.s32 v3;
	v4 =	vunpack.c.0.s8.s32 v4;
	s30 =	sshrl.u32 s4, $0x1;
	s5 =	sshll.u32 s5, $0x6;
	s8 =	sor.u32 s8, s9  }
0xa: {  	v5 =	vunpack.c.0.s8.s32 v5;
	v6 =	vunpack.c.0.s8.s32 v6;
	v7 =	vunpack.c.0.s8.s32 v7;
	s6 =	sor.u32 s6, s9;
	s9 =	ssub.s32 s4, s30;
	s31 =	sadd.s32 s5, s7  }
0xb: {  	v1 =	vunpack.c.0.s8.s32 v1;
	v2 =	vcombine.low v3, v2;
	s8 =	sshrl.u32 s8, $0x3;
	s6 =	sshrl.u32 s6, $0x3;
	s4 =	sadd.s32 $0x600, s31  }
0xc: {  	v0 =	vand.u32 $0xF, v0;
	v3 =	vcombine.low v5, v4;
	v4 =	vcombine.low v7, v6;
	s7 =	smax.u32 s9, $0x1;
	s9 =	simm.s32 $0x2800;
	s8 =	sadd.s32 s8, s3  }
0xd: {  	v9 =	vimm.f32 $3.000000010e+38;
	v5 =	vcombine.low v0, v1;
	s6 =	sadd.s32 s6, s3;
	s3 =	sadd.s32 $0xE00, s10;
	s10 =	simm.s32 $0x80  }
0xe: {  	v6 =	vand.u32 $0xF, v2;
	v7 =	vand.u32 $0xF, v3;
	v8 =	vand.u32 $0xF, v4;
	s5 =	sadd.s32 $0x2E00, s8;
	s6 =	sadd.s32 $0x4E00, s6;
	s8 =	simm.s32 $0x1  }
.LBB2_1:
0xf: {  	[tilespmem:s1], [sflag:$0x1] =	stream.linear.gather [hbm4b:s3+s1], $0x2000, $0x38;
	[tilespmem:$0x2A80] =	vst v63  }
0x10: {  	_ =	swait.ge [sflag:s8], $0x2000  }
0x11: {  	[sflag:s8] =	ssyncset.done $0x0  }
0x12: {  	[sflag:s8] =	ssyncadd.s32 $0xFFFFE000  }
0x13: {  	[tilespmem:s9], [sflag:$0x1] =	stream.linear.gather [hbm4b:s4+s1], $0x200, $0x38;
	[tilespmem:$0x2A80] =	vst v63  }
0x14: {  	_ =	swait.ge [sflag:s8], $0x200  }
0x15: {  	[sflag:s8] =	ssyncset.done $0x0  }
0x16: {  	s15 =	simm.s32 $0x0;
	[sflag:s8] =	ssyncadd.s32 $0xFFFFFE00  }
.LBB2_2:
0x17: {  	p0 =	sne.s32 s15, $0x1FC0  }
.Ltmp0:
0x18: {  	_ = 	snop;
	(pc) =	sbr.rel @p0 .LBB2_2-.Ltmp0, $3  }
0x19: {  	_ =	sdelay $0x1  }
0x1a: {  	s16 =	sshra.s32 s15, $0x2  }
0x1b: {  	s15 =	sadd.s32 $0x40, s15;
	[tilespmem:s16+$0x2000] =	vst v9  }
0x1c: {  	s15 =	simm.s32 $0x0;
	v0 =	vimm.f32 $0.0e+00;
	s16 =	simm.s32 $0x0  }
.LBB2_4:
0x1d: {  	s17 =	sshll.u32 s16, $0x4  }
0x1e: {  	v29 =	vld [tilespmem:s17+$0x2800]  }
0x1f: {  	v27 =	vld [tilespmem:s17+$0x2880]  }
0x20: {  	v28 =	vld [tilespmem:s17+$0x2900];
	_ =	sdelay $0x2  }
0x21: {  	s18 =	sand.u32 $0x60, s15;
	s19 =	sand.u32 $0x1E00, s15;
	v19 =	vimm.s32 $0x0  }
0x22: {  	[tilespmem:$0x1FFF0] =	vst v0;
	v20 =	vimm.s32 $0x1;
	s20 =	sor.u32 s18, s19;
	v0 =	vperm.xlane v29, v19;
	v1 =	vperm.xlane v27, v19  }
0x23: {  	v9 =	vld [tilespmem:s20+$0x0];
	v30 =	vperm.xlane v28, v19;
	v31 =	vperm.xlane v29, v20  }
0x24: {  	v21 =	vimm.s32 $0x2;
	v10 =	vld [tilespmem:s20+$0x80];
	v32 =	vperm.xlane v27, v20;
	v33 =	vperm.xlane v28, v20  }
0x25: {  	v25 =	vimm.s32 $0x3;
	v2 =	vperm.xlane v29, v21;
	v3 =	vperm.xlane v27, v21  }
0x26: {  	v11 =	vld [tilespmem:s20+$0x100];
	v34 =	vperm.xlane v28, v21;
	v35 =	vperm.xlane v29, v25  }
0x27: {  	v4 =	vperm.xlane v27, v25;
	v36 =	vperm.xlane v28, v25  }
0x28: {  	v12 =	vmul.f32 v9, v2;
	v13 =	vmul.f32 v9, v35  }
0x29: {  	v26 =	vld [tilespmem:s17+$0x2980];
	v14 =	vmul.f32 v9, v0;
	v15 =	vmul.f32 v10, v1  }
0x2a: {  	v16 =	vld [tilespmem:s20+$0x180];
	v9 =	vmul.f32 v9, v31;
	v17 =	vmul.f32 v10, v32  }
0x2b: {  	v18 =	vmul.f32 v10, v3;
	v14 =	vadd.f32 v15, v14;
	v15 =	vmul.f32 v11, v30  }
0x2c: {  	v10 =	vmul.f32 v10, v4;
	v9 =	vadd.f32 v17, v9;
	v17 =	vmul.f32 v11, v33  }
0x2d: {  	s29 =	simm.s32 $0x0;
	v12 =	vadd.f32 v18, v12;
	v14 =	vadd.f32 v15, v14;
	v15 =	vmul.f32 v11, v34  }
0x2e: {  	v18 =	vld [tilespmem:s29+$0x2000];
	v10 =	vadd.f32 v10, v13;
	v9 =	vadd.f32 v17, v9;
	v17 =	vmul.f32 v11, v36  }
0x2f: {  	v22 =	vperm.xlane v26, v19;
	v11 =	vadd.f32 v14, v16;
	v12 =	vadd.f32 v15, v12  }
0x30: {  	v23 =	vperm.xlane v26, v20;
	v13 =	vadd.f32 v9, v16;
	v9 =	vadd.f32 v17, v10  }
0x31: {  	v24 =	vperm.xlane v26, v21;
	v10 =	vadd.f32 v11, v22;
	v14 =	vadd.f32 v12, v16  }
0x32: {  	v25 =	vperm.xlane v26, v25;
	v12 =	vadd.f32 v13, v23;
	v15 =	vadd.f32 v9, v16  }
0x33: {  	v9 =	vmin.f32 v18, v10;
	v10 =	vadd.f32 v14, v24  }
0x34: {  	v9 =	vmin.f32 v9, v12;
	v12 =	vadd.f32 v15, v25  }
0x35: {  	v9 =	vmin.f32 v9, v10  }
0x36: {  	s18 =	sor.u32 $0x10, s18;
	v9 =	vmin.f32 v9, v12  }
0x37: {  	s30 =	sor.u32 s18, s19;
	[tilespmem:s29+$0x2000] =	vst v9  }
0x38: {  	v10 =	vld [tilespmem:s30+$0x0]  }
0x39: {  	v16 =	vld [tilespmem:s30+$0x80];
	_ =	sdelay $0x1  }
0x3a: {  	v21 =	vld [tilespmem:s30+$0x100];
	_ =	sdelay $0x1  }
0x3b: {  	v17 =	vmul.f32 v10, v0;
	v18 =	vmul.f32 v10, v31  }
0x3c: {  	v9 =	vimm.f32 $3.000000010e+38;
	v19 =	vmul.f32 v16, v1;
	v38 =	vmul.f32 v10, v35  }
0x3d: {  	v12 =	vmin.f32 v9, v15;
	v15 =	vmul.f32 v16, v32;
	v20 =	vmul.f32 v16, v3  }
0x3e: {  	v10 =	vmul.f32 v10, v2;
	v40 =	vmul.f32 v21, v33  }
0x3f: {  	v17 =	vadd.f32 v19, v17;
	v19 =	vmul.f32 v21, v30;
	v39 =	vadd.f32 v15, v18;
	v15 =	vld [tilespmem:s30+$0x180]  }
0x40: {  	s31 =	sand.u32 $0x780, s15;
	v14 =	vmin.f32 v9, v14;
	v41 =	vmul.f32 v16, v4;
	v37 =	vmul.f32 v21, v34  }
0x41: {  	s22 =	sor.u32 s18, s31;
	v20 =	vadd.f32 v20, v10;
	v21 =	vmul.f32 v21, v36;
	v18 =	vadd.f32 v19, v17  }
0x42: {  	s17 =	simm.s32 $0x20;
	s18 =	simm.s32 $0x0;
	v16 =	vld [tilespmem:s22+$0x2000];
	v10 =	vimm.f32 $3.000000010e+38;
	v17 =	vadd.f32 v40, v39;
	v19 =	vadd.f32 v41, v38  }
.LBB2_5:
0x43: {  	p0 =	sne.s32 s17, $0x7E0  }
0x44: {  	v9 =	vmin.f32 v9, v13;
	v13 =	vadd.f32 v18, v15;
	v18 =	vadd.f32 v37, v20;
	s18 =	sadd.s32 $0x80, s18;
	s19 =	smov.u32 s17;
	s17 =	sadd.s32 $0x20, s17  }
0x45: {  	v10 =	vmin.f32 v10, v11;
	s20 =	sand.u32 $0x60, s19;
	s21 =	sand.u32 $0x1E00, s18;
	v11 =	vadd.f32 v17, v15;
	v17 =	vadd.f32 v21, v19  }
0x46: {  	s23 =	sor.u32 s20, s21;
	s20 =	sor.u32 $0x10, s20;
	v10 =	vmin.f32 v10, v13;
	v13 =	vadd.f32 v13, v22;
	v18 =	vadd.f32 v18, v15  }
0x47: {  	v9 =	vmin.f32 v9, v11;
	v11 =	vadd.f32 v11, v23;
	v15 =	vadd.f32 v17, v15  }
0x48: {  	v13 =	vmin.f32 v16, v13;
	v14 =	vmin.f32 v14, v18;
	v16 =	vadd.f32 v18, v24  }
0x49: {  	v11 =	vmin.f32 v13, v11;
	v12 =	vmin.f32 v12, v15;
	v13 =	vadd.f32 v15, v25  }
0x4a: {  	v11 =	vmin.f32 v11, v16  }
0x4b: {  	v11 =	vmin.f32 v11, v13  }
0x4c: {  	[tilespmem:s22+$0x2000] =	vst v11  }
0x4d: {  	v11 =	vld [tilespmem:s23+$0x0]  }
0x4e: {  	v13 =	vld [tilespmem:s23+$0x80]  }
0x4f: {  	v15 =	vld [tilespmem:s23+$0x100];
	_ =	sdelay $0x2  }
0x50: {  	v16 =	vmul.f32 v11, v2;
	v17 =	vmul.f32 v11, v35  }
0x51: {  	v18 =	vmul.f32 v11, v0;
	v19 =	vmul.f32 v13, v1  }
0x52: {  	v11 =	vmul.f32 v11, v31;
	v21 =	vmul.f32 v13, v32;
	v20 =	vld [tilespmem:s23+$0x180]  }
0x53: {  	v37 =	vmul.f32 v13, v3;
	v18 =	vadd.f32 v19, v18;
	v19 =	vmul.f32 v15, v30  }
0x54: {  	v13 =	vmul.f32 v13, v4;
	v11 =	vadd.f32 v21, v11;
	v21 =	vmul.f32 v15, v33  }
0x55: {  	s22 =	sshra.s32 s18, $0x2;
	v16 =	vadd.f32 v37, v16;
	v18 =	vadd.f32 v19, v18;
	v19 =	vmul.f32 v15, v34  }
0x56: {  	v17 =	vadd.f32 v13, v17;
	v21 =	vadd.f32 v21, v11;
	v15 =	vmul.f32 v15, v36;
	v37 =	vld [tilespmem:s22+$0x2000]  }
0x57: {  	v11 =	vadd.f32 v18, v20;
	v16 =	vadd.f32 v19, v16  }
0x58: {  	v13 =	vadd.f32 v21, v20;
	v15 =	vadd.f32 v15, v17  }
0x59: {  	v17 =	vadd.f32 v11, v22;
	v16 =	vadd.f32 v16, v20  }
0x5a: {  	v18 =	vadd.f32 v13, v23;
	v15 =	vadd.f32 v15, v20  }
0x5b: {  	v17 =	vmin.f32 v37, v17;
	v19 =	vadd.f32 v16, v24  }
0x5c: {  	v17 =	vmin.f32 v17, v18;
	v18 =	vadd.f32 v15, v25  }
0x5d: {  	v17 =	vmin.f32 v17, v19  }
0x5e: {  	v17 =	vmin.f32 v17, v18  }
0x5f: {  	s21 =	sor.u32 s20, s21;
	[tilespmem:s22+$0x2000] =	vst v17  }
0x60: {  	v17 =	vld [tilespmem:s21+$0x0]  }
0x61: {  	v18 =	vld [tilespmem:s21+$0x80];
	_ =	sdelay $0x1  }
0x62: {  	v21 =	vld [tilespmem:s21+$0x100];
	_ =	sdelay $0x1  }
0x63: {  	v19 =	vmul.f32 v17, v0;
	v20 =	vmul.f32 v17, v31  }
0x64: {  	v12 =	vmin.f32 v12, v15;
	v38 =	vmul.f32 v17, v35;
	v37 =	vmul.f32 v18, v1  }
.Ltmp1:
0x65: {  	v14 =	vmin.f32 v14, v16;
	v16 =	vmul.f32 v18, v32;
	v39 =	vmul.f32 v18, v3;
	v15 =	vld [tilespmem:s21+$0x180];
	(pc) =	sbr.rel @p0 .LBB2_5-.Ltmp1, $4  }
0x66: {  	v17 =	vmul.f32 v17, v2;
	v19 =	vadd.f32 v37, v19;
	v37 =	vmul.f32 v21, v30  }
0x67: {  	s19 =	sand.u32 $0x780, s19;
	v42 =	vmul.f32 v18, v4;
	v40 =	vadd.f32 v16, v20;
	v41 =	vmul.f32 v21, v33  }
0x68: {  	s22 =	sor.u32 s20, s19;
	v20 =	vadd.f32 v39, v17;
	v18 =	vadd.f32 v37, v19;
	v37 =	vmul.f32 v21, v34  }
0x69: {  	v17 =	vadd.f32 v41, v40;
	v19 =	vadd.f32 v42, v38;
	v21 =	vmul.f32 v21, v36;
	v16 =	vld [tilespmem:s22+$0x2000]  }
0x6a: {  	v0 =	vadd.f32 v18, v15  }
0x6b: {  	v1 =	vadd.f32 v37, v20;
	v4 =	vmin.f32 v10, v11;
	v9 =	vmin.f32 v9, v13  }
0x6c: {  	v20 =	vimm.s32 $0x4;
	v30 =	vimm.s32 $0x6;
	v34 =	vimm.s32 $0x7  }
0x6d: {  	v2 =	vadd.f32 v17, v15;
	v3 =	vadd.f32 v21, v19;
	v42 =	vperm.xlane v29, v20  }
0x6e: {  	v43 =	vperm.xlane v27, v20;
	v10 =	vadd.f32 v0, v22;
	v1 =	vadd.f32 v1, v15  }
0x6f: {  	v0 =	vmin.f32 v4, v0;
	v4 =	vadd.f32 v2, v23;
	v3 =	vadd.f32 v3, v15  }
0x70: {  	v44 =	vperm.xlane v28, v20;
	v10 =	vmin.f32 v16, v10;
	v11 =	vadd.f32 v1, v24  }
0x71: {  	v15 =	vperm.xlane v0, v5;
	v4 =	vmin.f32 v10, v4;
	v10 =	vadd.f32 v3, v25  }
0x72: {  	s17 =	simm.s32 $0x0;
	v48 =	vperm.xlane v29, v30;
	v49 =	vperm.xlane v27, v30;
	v4 =	vmin.f32 v4, v11  }
0x73: {  	s19 =	sand.u32 $0x60, s17;
	s18 =	sand.u32 $0x1E00, s17;
	v2 =	vmin.f32 v9, v2;
	v9 =	vmin.f32 v0, v15;
	v0 =	vmin.f32 v4, v10  }
0x74: {  	v50 =	vperm.xlane v28, v30;
	v51 =	vperm.xlane v29, v34;
	s20 =	sor.u32 s19, s18;
	[tilespmem:s22+$0x2000] =	vst v0  }
0x75: {  	v52 =	vperm.xlane v27, v34;
	v31 =	vperm.xlane v26, v20;
	v11 =	vld [tilespmem:s20+$0x0]  }
0x76: {  	v21 =	vimm.s32 $0x5;
	v33 =	vperm.xlane v26, v30;
	v30 =	vperm.xlane v26, v34;
	v13 =	vld [tilespmem:s20+$0x80]  }
0x77: {  	v45 =	vperm.xlane v29, v21;
	v46 =	vperm.xlane v27, v21  }
0x78: {  	v47 =	vperm.xlane v28, v21;
	v32 =	vperm.xlane v26, v21  }
0x79: {  	v10 =	vperm.xlane v2, v5;
	v0 =	vperm.xlane v28, v34;
	v15 =	vld [tilespmem:s20+$0x100]  }
0x7a: {  	v1 =	vmin.f32 v14, v1;
	v14 =	vmul.f32 v11, v48;
	v16 =	vmul.f32 v11, v51  }
0x7b: {  	v12 =	vmin.f32 v12, v3;
	v3 =	vmul.f32 v11, v42;
	v17 =	vmul.f32 v13, v43  }
0x7c: {  	v10 =	vmin.f32 v2, v10;
	v2 =	vmul.f32 v11, v45;
	v11 =	vmul.f32 v13, v46  }
0x7d: {  	v18 =	vld [tilespmem:s20+$0x180];
	v19 =	vmul.f32 v13, v49;
	v13 =	vmul.f32 v13, v52  }
0x7e: {  	v3 =	vadd.f32 v17, v3;
	v17 =	vmul.f32 v15, v44;
	v2 =	vadd.f32 v11, v2  }
0x7f: {  	v11 =	vmul.f32 v15, v47;
	v14 =	vadd.f32 v19, v14;
	v13 =	vadd.f32 v13, v16  }
0x80: {  	s30 =	simm.s32 $0x0;
	v16 =	vperm.xlane v1, v5;
	v3 =	vadd.f32 v17, v3;
	v17 =	vmul.f32 v15, v50  }
0x81: {  	v4 =	vperm.xlane v9, v6;
	v19 =	vld [tilespmem:s30+$0x2000];
	v11 =	vadd.f32 v11, v2;
	v15 =	vmul.f32 v15, v0  }
0x82: {  	v1 =	vmin.f32 v1, v16;
	v2 =	vadd.f32 v3, v18;
	v14 =	vadd.f32 v17, v14  }
0x83: {  	v16 =	vperm.xlane v1, v6;
	v3 =	vadd.f32 v11, v18;
	v11 =	vadd.f32 v15, v13  }
0x84: {  	v4 =	vmin.f32 v9, v4;
	v13 =	vadd.f32 v2, v31;
	v14 =	vadd.f32 v14, v18  }
0x85: {  	v1 =	vmin.f32 v1, v16;
	v15 =	vadd.f32 v3, v32;
	v11 =	vadd.f32 v11, v18  }
0x86: {  	v13 =	vmin.f32 v19, v13;
	v17 =	vadd.f32 v14, v33;
	v19 =	vperm.xlane v10, v6  }
0x87: {  	v18 =	vperm.xlane v12, v5;
	v13 =	vmin.f32 v13, v15;
	v15 =	vadd.f32 v11, v30  }
0x88: {  	v13 =	vmin.f32 v13, v17;
	v10 =	vmin.f32 v10, v19;
	v17 =	vperm.xlane v1, v7  }
0x89: {  	v12 =	vmin.f32 v12, v18;
	v13 =	vmin.f32 v13, v15;
	v16 =	vperm.xlane v10, v7  }
0x8a: {  	s19 =	sor.u32 $0x10, s19;
	v9 =	vperm.xlane v12, v6;
	[tilespmem:s30+$0x2000] =	vst v13;
	v13 =	vperm.xlane v4, v7;
	v1 =	vmin.f32 v1, v17  }
0x8b: {  	s18 =	sor.u32 s19, s18;
	v10 =	vmin.f32 v10, v16;
	[tilespmem:$0x1FFB0] =	vst v1  }
0x8c: {  	v9 =	vmin.f32 v12, v9;
	v15 =	vld [tilespmem:s18+$0x0];
	v1 =	vperm.xlane v1, v8;
	v13 =	vmin.f32 v4, v13;
	[tilespmem:$0x1FF90] =	vst v10  }
0x8d: {  	v12 =	vld [tilespmem:s18+$0x80];
	v4 =	vperm.xlane v9, v7;
	v10 =	vperm.xlane v10, v8;
	[tilespmem:$0x1FF70] =	vst v13  }
0x8e: {  	[tilespmem:$0x1FFC0] =	vst v1  }
0x8f: {  	v17 =	vld [tilespmem:s18+$0x100];
	v13 =	vperm.xlane v13, v8;
	[tilespmem:$0x1FFA0] =	vst v10;
	v1 =	vmin.f32 v9, v4  }
0x90: {  	[tilespmem:$0x1FFD0] =	vst v1;
	v1 =	vperm.xlane v1, v8  }
0x91: {  	[tilespmem:$0x1FF80] =	vst v13;
	v4 =	vmul.f32 v15, v42;
	v10 =	vmul.f32 v15, v45  }
0x92: {  	v13 =	vmul.f32 v12, v43;
	v19 =	vmul.f32 v15, v51;
	[tilespmem:$0x1FFE0] =	vst v1;
	v1 =	vimm.f32 $3.000000010e+38  }
0x93: {  	v16 =	vmul.f32 v12, v49;
	v9 =	vmin.f32 v1, v11;
	v11 =	vmul.f32 v12, v46  }
0x94: {  	v15 =	vmul.f32 v15, v48;
	v21 =	vmul.f32 v17, v47  }
0x95: {  	v63 =	vmul.f32 v12, v52;
	v18 =	vmul.f32 v17, v50;
	v20 =	vadd.f32 v11, v10;
	v11 =	vld [tilespmem:s18+$0x180]  }
0x96: {  	s31 =	sand.u32 $0x780, s17;
	v4 =	vadd.f32 v13, v4;
	v13 =	vmul.f32 v17, v44;
	v16 =	vadd.f32 v16, v15  }
0x97: {  	s22 =	sor.u32 s19, s31;
	v15 =	vadd.f32 v63, v19;
	v17 =	vmul.f32 v17, v0;
	v10 =	vmin.f32 v1, v14  }
0x98: {  	v12 =	vld [tilespmem:s22+$0x2000];
	v14 =	vadd.f32 v13, v4;
	s18 =	simm.s32 $0x20;
	v4 =	vimm.f32 $3.000000010e+38;
	v13 =	vadd.f32 v21, v20  }
.LBB2_7:
0x99: {  	p0 =	sne.s32 s18, $0x7E0  }
0x9a: {  	v1 =	vmin.f32 v1, v3;
	v3 =	vadd.f32 v14, v11;
	v14 =	vadd.f32 v18, v16;
	s17 =	sadd.s32 $0x80, s17;
	s19 =	smov.u32 s18;
	s18 =	sadd.s32 $0x20, s18  }
0x9b: {  	v2 =	vmin.f32 v4, v2;
	s20 =	sand.u32 $0x60, s19;
	s21 =	sand.u32 $0x1E00, s17;
	v13 =	vadd.f32 v13, v11;
	v15 =	vadd.f32 v17, v15  }
0x9c: {  	s23 =	sor.u32 s20, s21;
	s20 =	sor.u32 $0x10, s20;
	v4 =	vmin.f32 v2, v3;
	v2 =	vadd.f32 v3, v31;
	v3 =	vadd.f32 v14, v11  }
0x9d: {  	v1 =	vmin.f32 v1, v13;
	v13 =	vadd.f32 v13, v32;
	v11 =	vadd.f32 v15, v11  }
0x9e: {  	v2 =	vmin.f32 v12, v2;
	v10 =	vmin.f32 v10, v3;
	v3 =	vadd.f32 v3, v33  }
0x9f: {  	v2 =	vmin.f32 v2, v13;
	v9 =	vmin.f32 v9, v11;
	v11 =	vadd.f32 v11, v30  }
0xa0: {  	v2 =	vmin.f32 v2, v3  }
0xa1: {  	v2 =	vmin.f32 v2, v11  }
0xa2: {  	[tilespmem:s22+$0x2000] =	vst v2  }
0xa3: {  	v2 =	vld [tilespmem:s23+$0x0]  }
0xa4: {  	v3 =	vld [tilespmem:s23+$0x80]  }
0xa5: {  	v11 =	vld [tilespmem:s23+$0x100];
	_ =	sdelay $0x2  }
0xa6: {  	v12 =	vmul.f32 v2, v48;
	v13 =	vmul.f32 v2, v51  }
0xa7: {  	v14 =	vmul.f32 v2, v42;
	v15 =	vmul.f32 v3, v43  }
0xa8: {  	v2 =	vmul.f32 v2, v45;
	v17 =	vmul.f32 v3, v46;
	v16 =	vld [tilespmem:s23+$0x180]  }
0xa9: {  	v18 =	vmul.f32 v3, v49;
	v14 =	vadd.f32 v15, v14;
	v15 =	vmul.f32 v11, v44  }
0xaa: {  	v3 =	vmul.f32 v3, v52;
	v2 =	vadd.f32 v17, v2;
	v17 =	vmul.f32 v11, v47  }
0xab: {  	s22 =	sshra.s32 s17, $0x2;
	v12 =	vadd.f32 v18, v12;
	v14 =	vadd.f32 v15, v14;
	v15 =	vmul.f32 v11, v50  }
0xac: {  	v13 =	vadd.f32 v3, v13;
	v17 =	vadd.f32 v17, v2;
	v11 =	vmul.f32 v11, v0;
	v18 =	vld [tilespmem:s22+$0x2000]  }
0xad: {  	v2 =	vadd.f32 v14, v16;
	v12 =	vadd.f32 v15, v12  }
0xae: {  	v3 =	vadd.f32 v17, v16;
	v11 =	vadd.f32 v11, v13  }
0xaf: {  	v13 =	vadd.f32 v2, v31;
	v12 =	vadd.f32 v12, v16  }
0xb0: {  	v14 =	vadd.f32 v3, v32;
	v11 =	vadd.f32 v11, v16  }
0xb1: {  	v13 =	vmin.f32 v18, v13;
	v15 =	vadd.f32 v12, v33  }
0xb2: {  	v13 =	vmin.f32 v13, v14;
	v14 =	vadd.f32 v11, v30  }
0xb3: {  	v13 =	vmin.f32 v13, v15  }
0xb4: {  	v13 =	vmin.f32 v13, v14  }
0xb5: {  	s21 =	sor.u32 s20, s21;
	[tilespmem:s22+$0x2000] =	vst v13  }
0xb6: {  	v13 =	vld [tilespmem:s21+$0x0]  }
0xb7: {  	v14 =	vld [tilespmem:s21+$0x80];
	_ =	sdelay $0x1  }
0xb8: {  	v17 =	vld [tilespmem:s21+$0x100];
	_ =	sdelay $0x1  }
0xb9: {  	v15 =	vmul.f32 v13, v42;
	v16 =	vmul.f32 v13, v45  }
0xba: {  	v9 =	vmin.f32 v9, v11;
	v19 =	vmul.f32 v13, v51;
	v18 =	vmul.f32 v14, v43  }
.Ltmp2:
0xbb: {  	v10 =	vmin.f32 v10, v12;
	v12 =	vmul.f32 v14, v46;
	v20 =	vmul.f32 v14, v49;
	v11 =	vld [tilespmem:s21+$0x180];
	(pc) =	sbr.rel @p0 .LBB2_7-.Ltmp2, $4  }
0xbc: {  	v13 =	vmul.f32 v13, v48;
	v15 =	vadd.f32 v18, v15;
	v18 =	vmul.f32 v17, v44  }
0xbd: {  	s19 =	sand.u32 $0x780, s19;
	v35 =	vmul.f32 v14, v52;
	v21 =	vadd.f32 v12, v16;
	v34 =	vmul.f32 v17, v47  }
0xbe: {  	s22 =	sor.u32 s20, s19;
	v16 =	vadd.f32 v20, v13;
	v14 =	vadd.f32 v18, v15;
	v18 =	vmul.f32 v17, v50  }
0xbf: {  	v13 =	vadd.f32 v34, v21;
	v15 =	vadd.f32 v35, v19;
	v17 =	vmul.f32 v17, v0;
	v12 =	vld [tilespmem:s22+$0x2000]  }
0xc0: {  	v0 =	vadd.f32 v14, v11  }
0xc1: {  	v14 =	vadd.f32 v18, v16;
	v2 =	vmin.f32 v4, v2;
	v1 =	vmin.f32 v1, v3  }
0xc2: {  	v21 =	vimm.s32 $0x8;
	v34 =	vimm.s32 $0x9;
	v35 =	vimm.s32 $0xA  }
0xc3: {  	v13 =	vadd.f32 v13, v11;
	v15 =	vadd.f32 v17, v15;
	v54 =	vperm.xlane v29, v21  }
0xc4: {  	v55 =	vperm.xlane v27, v21;
	v4 =	vadd.f32 v0, v31;
	v14 =	vadd.f32 v14, v11  }
0xc5: {  	v0 =	vmin.f32 v2, v0;
	v2 =	vadd.f32 v13, v32;
	v11 =	vadd.f32 v15, v11  }
0xc6: {  	v56 =	vperm.xlane v28, v21;
	v4 =	vmin.f32 v12, v4;
	v12 =	vadd.f32 v14, v33  }
0xc7: {  	v15 =	vperm.xlane v0, v5;
	v2 =	vmin.f32 v4, v2;
	v3 =	vadd.f32 v11, v30  }
0xc8: {  	s17 =	simm.s32 $0x0;
	v57 =	vperm.xlane v29, v34;
	v4 =	vmin.f32 v1, v13;
	v1 =	vmin.f32 v2, v12  }
0xc9: {  	s19 =	sand.u32 $0x60, s17;
	s18 =	sand.u32 $0x1E00, s17;
	v58 =	vperm.xlane v27, v34;
	v2 =	vmin.f32 v0, v15;
	v0 =	vmin.f32 v1, v3  }
0xca: {  	v59 =	vperm.xlane v28, v34;
	v60 =	vperm.xlane v29, v35;
	s20 =	sor.u32 s19, s18;
	[tilespmem:s22+$0x2000] =	vst v0  }
0xcb: {  	v36 =	vimm.s32 $0xB;
	v61 =	vperm.xlane v27, v35;
	v62 =	vperm.xlane v28, v35;
	v13 =	vld [tilespmem:s20+$0x0]  }
0xcc: {  	v63 =	vperm.xlane v29, v36;
	v45 =	vperm.xlane v26, v21;
	v15 =	vld [tilespmem:s20+$0x80]  }
0xcd: {  	v44 =	vperm.xlane v26, v34;
	v43 =	vperm.xlane v26, v35  }
0xce: {  	v42 =	vperm.xlane v26, v36;
	v3 =	vperm.xlane v4, v5;
	v16 =	vld [tilespmem:s20+$0x100]  }
0xcf: {  	v1 =	vperm.xlane v28, v36;
	v0 =	vperm.xlane v27, v36  }
0xd0: {  	v10 =	vmin.f32 v10, v14;
	v14 =	vmul.f32 v13, v60;
	v17 =	vmul.f32 v13, v63  }
0xd1: {  	v9 =	vmin.f32 v9, v11;
	v11 =	vmul.f32 v13, v54;
	v18 =	vmul.f32 v15, v55  }
0xd2: {  	v19 =	vmin.f32 v4, v3;
	v20 =	vld [tilespmem:s20+$0x180];
	v3 =	vmul.f32 v13, v57;
	v4 =	vmul.f32 v15, v58  }
0xd3: {  	v13 =	vmul.f32 v16, v56;
	v11 =	vadd.f32 v18, v11;
	v18 =	vmul.f32 v15, v61  }
0xd4: {  	v3 =	vadd.f32 v4, v3;
	v4 =	vmul.f32 v16, v59;
	v15 =	vmul.f32 v15, v0  }
0xd5: {  	s30 =	simm.s32 $0x0;
	v11 =	vadd.f32 v13, v11;
	v13 =	vadd.f32 v18, v14;
	v14 =	vmul.f32 v16, v62  }
0xd6: {  	v18 =	vld [tilespmem:s30+$0x2000];
	v4 =	vadd.f32 v4, v3;
	v15 =	vadd.f32 v15, v17;
	v16 =	vmul.f32 v16, v1  }
0xd7: {  	v12 =	vperm.xlane v2, v6;
	v3 =	vadd.f32 v11, v20;
	v11 =	vadd.f32 v14, v13  }
0xd8: {  	v4 =	vadd.f32 v4, v20;
	v13 =	vadd.f32 v16, v15;
	v16 =	vperm.xlane v10, v5  }
0xd9: {  	v2 =	vmin.f32 v2, v12;
	v14 =	vadd.f32 v3, v45;
	v11 =	vadd.f32 v11, v20  }
0xda: {  	v15 =	vadd.f32 v4, v44;
	v13 =	vadd.f32 v13, v20;
	v10 =	vmin.f32 v10, v16  }
0xdb: {  	v14 =	vmin.f32 v18, v14;
	v17 =	vadd.f32 v11, v43;
	v18 =	vperm.xlane v9, v5  }
0xdc: {  	v16 =	vperm.xlane v10, v6;
	v14 =	vmin.f32 v14, v15;
	v15 =	vadd.f32 v13, v42  }
0xdd: {  	v20 =	vperm.xlane v19, v6;
	v14 =	vmin.f32 v14, v17;
	v9 =	vmin.f32 v9, v18  }
0xde: {  	s19 =	sor.u32 $0x10, s19;
	v10 =	vmin.f32 v10, v16;
	v14 =	vmin.f32 v14, v15;
	v12 =	vperm.xlane v9, v6  }
0xdf: {  	s18 =	sor.u32 s19, s18;
	v18 =	vperm.xlane v10, v7;
	v15 =	vmin.f32 v19, v20;
	[tilespmem:s30+$0x2000] =	vst v14;
	v14 =	vperm.xlane v2, v7  }
0xe0: {  	v17 =	vperm.xlane v15, v7;
	v16 =	vld [tilespmem:s18+$0x0];
	v9 =	vmin.f32 v9, v12  }
0xe1: {  	v46 =	vmin.f32 v10, v18;
	v12 =	vld [tilespmem:s18+$0x80];
	v49 =	vmin.f32 v2, v14;
	v2 =	vperm.xlane v9, v7  }
0xe2: {  	v10 =	vperm.xlane v46, v8  }
0xe3: {  	v50 =	vmin.f32 v15, v17;
	v14 =	vperm.xlane v49, v8;
	v47 =	vmin.f32 v9, v2  }
0xe4: {  	v18 =	vld [tilespmem:s18+$0x100];
	v53 =	vperm.xlane v50, v8;
	v2 =	vperm.xlane v47, v8  }
0xe5: {  	[tilespmem:$0x1FF40] =	vst v14;
	v9 =	vmul.f32 v16, v54;
	v14 =	vmul.f32 v16, v57  }
0xe6: {  	v15 =	vmul.f32 v12, v55;
	v20 =	vmul.f32 v16, v63  }
0xe7: {  	v17 =	vmul.f32 v12, v61;
	v16 =	vmul.f32 v16, v60;
	[tilespmem:$0x1FF60] =	vst v2;
	v2 =	vimm.f32 $3.000000010e+38  }
0xe8: {  	[tilespmem:$0x1FF50] =	vst v10;
	v21 =	vmul.f32 v12, v0;
	v10 =	vmin.f32 v2, v13;
	v13 =	vmul.f32 v12, v58  }
0xe9: {  	v19 =	vmul.f32 v18, v62;
	v9 =	vadd.f32 v15, v9;
	v15 =	vmul.f32 v18, v56;
	v12 =	vld [tilespmem:s18+$0x180]  }
0xea: {  	s31 =	sand.u32 $0x780, s17;
	v17 =	vadd.f32 v17, v16;
	v13 =	vadd.f32 v13, v14;
	v14 =	vmul.f32 v18, v59  }
0xeb: {  	s22 =	sor.u32 s19, s31;
	v11 =	vmin.f32 v2, v11;
	v16 =	vadd.f32 v21, v20;
	v15 =	vadd.f32 v15, v9  }
0xec: {  	s18 =	simm.s32 $0x20;
	v18 =	vmul.f32 v18, v1;
	v9 =	vimm.f32 $3.000000010e+38;
	v14 =	vadd.f32 v14, v13;
	v13 =	vld [tilespmem:s22+$0x2000]  }
.LBB2_9:
0xed: {  	p0 =	sne.s32 s18, $0x7E0  }
0xee: {  	v2 =	vmin.f32 v2, v4;
	v4 =	vadd.f32 v15, v12;
	v15 =	vadd.f32 v19, v17;
	s17 =	sadd.s32 $0x80, s17;
	s19 =	smov.u32 s18;
	s18 =	sadd.s32 $0x20, s18  }
0xef: {  	v3 =	vmin.f32 v9, v3;
	s20 =	sand.u32 $0x60, s19;
	s21 =	sand.u32 $0x1E00, s17;
	v14 =	vadd.f32 v14, v12;
	v16 =	vadd.f32 v18, v16  }
0xf0: {  	s23 =	sor.u32 s20, s21;
	s20 =	sor.u32 $0x10, s20;
	v9 =	vmin.f32 v3, v4;
	v3 =	vadd.f32 v4, v45;
	v4 =	vadd.f32 v15, v12  }
0xf1: {  	v2 =	vmin.f32 v2, v14;
	v14 =	vadd.f32 v14, v44;
	v12 =	vadd.f32 v16, v12  }
0xf2: {  	v3 =	vmin.f32 v13, v3;
	v11 =	vmin.f32 v11, v4;
	v4 =	vadd.f32 v4, v43  }
0xf3: {  	v3 =	vmin.f32 v3, v14;
	v10 =	vmin.f32 v10, v12;
	v12 =	vadd.f32 v12, v42  }
0xf4: {  	v3 =	vmin.f32 v3, v4  }
0xf5: {  	v3 =	vmin.f32 v3, v12  }
0xf6: {  	[tilespmem:s22+$0x2000] =	vst v3  }
0xf7: {  	v3 =	vld [tilespmem:s23+$0x0]  }
0xf8: {  	v4 =	vld [tilespmem:s23+$0x80]  }
0xf9: {  	v12 =	vld [tilespmem:s23+$0x100];
	_ =	sdelay $0x2  }
0xfa: {  	v13 =	vmul.f32 v3, v60;
	v14 =	vmul.f32 v3, v63  }
0xfb: {  	v15 =	vmul.f32 v3, v54;
	v16 =	vmul.f32 v4, v55  }
0xfc: {  	v3 =	vmul.f32 v3, v57;
	v18 =	vmul.f32 v4, v58;
	v17 =	vld [tilespmem:s23+$0x180]  }
0xfd: {  	v19 =	vmul.f32 v4, v61;
	v15 =	vadd.f32 v16, v15;
	v16 =	vmul.f32 v12, v56  }
0xfe: {  	v4 =	vmul.f32 v4, v0;
	v3 =	vadd.f32 v18, v3;
	v18 =	vmul.f32 v12, v59  }
0xff: {  	s22 =	sshra.s32 s17, $0x2;
	v13 =	vadd.f32 v19, v13;
	v15 =	vadd.f32 v16, v15;
	v16 =	vmul.f32 v12, v62  }
0x100: {  	v14 =	vadd.f32 v4, v14;
	v18 =	vadd.f32 v18, v3;
	v12 =	vmul.f32 v12, v1;
	v19 =	vld [tilespmem:s22+$0x2000]  }
0x101: {  	v3 =	vadd.f32 v15, v17;
	v13 =	vadd.f32 v16, v13  }
0x102: {  	v4 =	vadd.f32 v18, v17;
	v12 =	vadd.f32 v12, v14  }
0x103: {  	v14 =	vadd.f32 v3, v45;
	v13 =	vadd.f32 v13, v17  }
0x104: {  	v15 =	vadd.f32 v4, v44;
	v12 =	vadd.f32 v12, v17  }
0x105: {  	v14 =	vmin.f32 v19, v14;
	v16 =	vadd.f32 v13, v43  }
0x106: {  	v14 =	vmin.f32 v14, v15;
	v15 =	vadd.f32 v12, v42  }
0x107: {  	v14 =	vmin.f32 v14, v16  }
0x108: {  	v14 =	vmin.f32 v14, v15  }
0x109: {  	s21 =	sor.u32 s20, s21;
	[tilespmem:s22+$0x2000] =	vst v14  }
0x10a: {  	v14 =	vld [tilespmem:s21+$0x0]  }
0x10b: {  	v15 =	vld [tilespmem:s21+$0x80];
	_ =	sdelay $0x1  }
0x10c: {  	v18 =	vld [tilespmem:s21+$0x100];
	_ =	sdelay $0x1  }
0x10d: {  	v16 =	vmul.f32 v14, v54;
	v17 =	vmul.f32 v14, v57  }
0x10e: {  	v10 =	vmin.f32 v10, v12;
	v20 =	vmul.f32 v14, v63;
	v19 =	vmul.f32 v15, v55  }
.Ltmp3:
0x10f: {  	v11 =	vmin.f32 v11, v13;
	v13 =	vmul.f32 v15, v58;
	v21 =	vmul.f32 v15, v61;
	v12 =	vld [tilespmem:s21+$0x180];
	(pc) =	sbr.rel @p0 .LBB2_9-.Ltmp3, $4  }
0x110: {  	v14 =	vmul.f32 v14, v60;
	v16 =	vadd.f32 v19, v16;
	v19 =	vmul.f32 v18, v56  }
0x111: {  	s19 =	sand.u32 $0x780, s19;
	v38 =	vmul.f32 v15, v0;
	v34 =	vadd.f32 v13, v17;
	v35 =	vmul.f32 v18, v59  }
0x112: {  	s22 =	sor.u32 s20, s19;
	v17 =	vadd.f32 v21, v14;
	v15 =	vadd.f32 v19, v16;
	v19 =	vmul.f32 v18, v62  }
0x113: {  	v14 =	vadd.f32 v35, v34;
	v16 =	vadd.f32 v38, v20;
	v18 =	vmul.f32 v18, v1;
	v13 =	vld [tilespmem:s22+$0x2000]  }
0x114: {  	v0 =	vadd.f32 v15, v12;
	v1 =	vadd.f32 v19, v17;
	v3 =	vmin.f32 v9, v3  }
0x115: {  	v2 =	vmin.f32 v2, v4;
	v21 =	vimm.s32 $0xC;
	v34 =	vimm.s32 $0xD  }
0x116: {  	v35 =	vimm.s32 $0xE;
	v14 =	vadd.f32 v14, v12;
	v15 =	vadd.f32 v18, v16  }
0x117: {  	v54 =	vperm.xlane v29, v21;
	v9 =	vadd.f32 v0, v45;
	v16 =	vadd.f32 v1, v12  }
0x118: {  	v0 =	vmin.f32 v3, v0;
	v1 =	vadd.f32 v14, v44;
	v3 =	vadd.f32 v15, v12  }
0x119: {  	v55 =	vperm.xlane v27, v21;
	v9 =	vmin.f32 v13, v9;
	v12 =	vadd.f32 v16, v43  }
0x11a: {  	v13 =	vperm.xlane v0, v5;
	v1 =	vmin.f32 v9, v1;
	v4 =	vadd.f32 v3, v42  }
0x11b: {  	s17 =	simm.s32 $0x0;
	v56 =	vperm.xlane v28, v21;
	v57 =	vperm.xlane v29, v34;
	v1 =	vmin.f32 v1, v12  }
0x11c: {  	s19 =	sand.u32 $0x60, s17;
	s18 =	sand.u32 $0x1E00, s17;
	v58 =	vperm.xlane v27, v34;
	v9 =	vmin.f32 v0, v13;
	v0 =	vmin.f32 v1, v4  }
0x11d: {  	v59 =	vperm.xlane v28, v34;
	v60 =	vperm.xlane v29, v35;
	s20 =	sor.u32 s19, s18;
	[tilespmem:s22+$0x2000] =	vst v0  }
0x11e: {  	v36 =	vimm.s32 $0xF;
	v61 =	vperm.xlane v27, v35;
	v62 =	vperm.xlane v28, v35;
	v13 =	vld [tilespmem:s20+$0x0]  }
0x11f: {  	v63 =	vperm.xlane v29, v36;
	v29 =	vperm.xlane v26, v21;
	v2 =	vmin.f32 v2, v14;
	v14 =	vld [tilespmem:s20+$0x80]  }
0x120: {  	v12 =	vperm.xlane v2, v5;
	v4 =	vperm.xlane v9, v6  }
0x121: {  	v1 =	vperm.xlane v28, v36;
	v28 =	vperm.xlane v26, v34;
	v15 =	vld [tilespmem:s20+$0x100]  }
0x122: {  	v0 =	vperm.xlane v27, v36;
	v27 =	vperm.xlane v26, v35  }
0x123: {  	v11 =	vmin.f32 v11, v16;
	v16 =	vmul.f32 v13, v60;
	v17 =	vmul.f32 v13, v63  }
0x124: {  	v3 =	vmin.f32 v10, v3;
	v10 =	vmul.f32 v13, v54;
	v18 =	vmul.f32 v14, v55  }
0x125: {  	v2 =	vmin.f32 v2, v12;
	v12 =	vld [tilespmem:s20+$0x180];
	v13 =	vmul.f32 v13, v57;
	v19 =	vmul.f32 v14, v58  }
0x126: {  	v20 =	vmul.f32 v14, v61;
	v10 =	vadd.f32 v18, v10;
	v18 =	vmul.f32 v15, v56  }
0x127: {  	v14 =	vmul.f32 v14, v0;
	v13 =	vadd.f32 v19, v13;
	v19 =	vmul.f32 v15, v59  }
0x128: {  	s30 =	simm.s32 $0x0;
	v16 =	vadd.f32 v20, v16;
	v10 =	vadd.f32 v18, v10;
	v18 =	vmul.f32 v15, v62  }
0x129: {  	v20 =	vld [tilespmem:s30+$0x2000];
	v13 =	vadd.f32 v19, v13;
	v19 =	vadd.f32 v14, v17;
	v15 =	vmul.f32 v15, v1  }
0x12a: {  	v26 =	vperm.xlane v26, v36;
	v14 =	vadd.f32 v10, v12;
	v10 =	vadd.f32 v18, v16  }
0x12b: {  	v4 =	vmin.f32 v9, v4;
	v17 =	vadd.f32 v13, v12;
	v13 =	vadd.f32 v15, v19  }
0x12c: {  	v19 =	vperm.xlane v3, v5;
	v15 =	vadd.f32 v14, v29;
	v16 =	vadd.f32 v10, v12  }
0x12d: {  	v10 =	vadd.f32 v17, v28;
	v18 =	vadd.f32 v13, v12;
	v12 =	vperm.xlane v11, v5  }
0x12e: {  	v13 =	vmin.f32 v20, v15;
	v15 =	vadd.f32 v16, v27;
	v20 =	vperm.xlane v2, v6  }
0x12f: {  	v11 =	vmin.f32 v11, v12;
	v10 =	vmin.f32 v13, v10;
	v13 =	vadd.f32 v18, v26  }
0x130: {  	v3 =	vmin.f32 v3, v19;
	v12 =	vperm.xlane v11, v6;
	v10 =	vmin.f32 v10, v15  }
0x131: {  	s19 =	sor.u32 $0x10, s19;
	v9 =	vperm.xlane v3, v6;
	v2 =	vmin.f32 v2, v20;
	v10 =	vmin.f32 v10, v13  }
0x132: {  	s18 =	sor.u32 s19, s18;
	v12 =	vmin.f32 v11, v12;
	v15 =	vperm.xlane v2, v7;
	[tilespmem:s30+$0x2000] =	vst v10  }
0x133: {  	v3 =	vmin.f32 v3, v9;
	v10 =	vperm.xlane v4, v7;
	v20 =	vperm.xlane v12, v7;
	v19 =	vld [tilespmem:s18+$0x0]  }
0x134: {  	v38 =	vperm.xlane v3, v7;
	v21 =	vld [tilespmem:s18+$0x80]  }
0x135: {  	v11 =	vmin.f32 v4, v10;
	v10 =	vmin.f32 v2, v15;
	v4 =	vmin.f32 v12, v20  }
0x136: {  	v41 =	vld [tilespmem:s18+$0x100];
	v2 =	vmin.f32 v3, v38;
	v13 =	vperm.xlane v11, v8;
	v12 =	vperm.xlane v10, v8  }
0x137: {  	v9 =	vperm.xlane v4, v8;
	v3 =	vperm.xlane v2, v8  }
0x138: {  	v20 =	vmul.f32 v19, v54;
	v48 =	vmul.f32 v19, v57  }
0x139: {  	v51 =	vmul.f32 v21, v55;
	v39 =	vmul.f32 v19, v63  }
0x13a: {  	v15 =	vimm.f32 $3.000000010e+38;
	v38 =	vmul.f32 v21, v58;
	v40 =	vmul.f32 v21, v61  }
0x13b: {  	v18 =	vmin.f32 v15, v18;
	v52 =	vmul.f32 v41, v56;
	v19 =	vmul.f32 v19, v60  }
0x13c: {  	v35 =	vadd.f32 v51, v20;
	v37 =	vadd.f32 v38, v48;
	v48 =	vmul.f32 v41, v59;
	v38 =	vld [tilespmem:s18+$0x180]  }
0x13d: {  	s31 =	sand.u32 $0x780, s17;
	v20 =	vmin.f32 v15, v16;
	v16 =	vmul.f32 v21, v0;
	v21 =	vadd.f32 v40, v19  }
0x13e: {  	s18 =	sor.u32 s19, s31;
	v34 =	vadd.f32 v52, v35;
	v35 =	vmul.f32 v41, v62;
	v40 =	vadd.f32 v48, v37  }
0x13f: {  	s19 =	simm.s32 $0x20;
	v19 =	vld [tilespmem:s18+$0x2000];
	v39 =	vadd.f32 v16, v39;
	v41 =	vmul.f32 v41, v1;
	v16 =	vimm.f32 $3.000000010e+38  }
.LBB2_11:
0x140: {  	p0 =	sne.s32 s19, $0x7E0  }
0x141: {  	v15 =	vmin.f32 v15, v17;
	v17 =	vadd.f32 v34, v38;
	v21 =	vadd.f32 v35, v21;
	s17 =	sadd.s32 $0x80, s17;
	s20 =	smov.u32 s19;
	s19 =	sadd.s32 $0x20, s19  }
0x142: {  	v14 =	vmin.f32 v16, v14;
	s21 =	sand.u32 $0x60, s20;
	s22 =	sand.u32 $0x1E00, s17;
	v34 =	vadd.f32 v40, v38;
	v35 =	vadd.f32 v41, v39  }
0x143: {  	s23 =	sor.u32 s21, s22;
	s21 =	sor.u32 $0x10, s21;
	v16 =	vmin.f32 v14, v17;
	v14 =	vadd.f32 v17, v29;
	v17 =	vadd.f32 v21, v38  }
0x144: {  	v15 =	vmin.f32 v15, v34;
	v21 =	vadd.f32 v34, v28;
	v34 =	vadd.f32 v35, v38  }
0x145: {  	v14 =	vmin.f32 v19, v14;
	v19 =	vmin.f32 v20, v17;
	v17 =	vadd.f32 v17, v27  }
0x146: {  	v14 =	vmin.f32 v14, v21;
	v18 =	vmin.f32 v18, v34;
	v20 =	vadd.f32 v34, v26  }
0x147: {  	v14 =	vmin.f32 v14, v17  }
0x148: {  	v14 =	vmin.f32 v14, v20  }
0x149: {  	[tilespmem:s18+$0x2000] =	vst v14  }
0x14a: {  	v14 =	vld [tilespmem:s23+$0x0]  }
0x14b: {  	v17 =	vld [tilespmem:s23+$0x80]  }
0x14c: {  	v20 =	vld [tilespmem:s23+$0x100];
	_ =	sdelay $0x2  }
0x14d: {  	v21 =	vmul.f32 v14, v60;
	v34 =	vmul.f32 v14, v63  }
0x14e: {  	v35 =	vmul.f32 v14, v54;
	v36 =	vmul.f32 v17, v55  }
0x14f: {  	v14 =	vmul.f32 v14, v57;
	v38 =	vmul.f32 v17, v58;
	v37 =	vld [tilespmem:s23+$0x180]  }
0x150: {  	v39 =	vmul.f32 v17, v61;
	v35 =	vadd.f32 v36, v35;
	v36 =	vmul.f32 v20, v56  }
0x151: {  	v17 =	vmul.f32 v17, v0;
	v14 =	vadd.f32 v38, v14;
	v38 =	vmul.f32 v20, v59  }
0x152: {  	s18 =	sshra.s32 s17, $0x2;
	v21 =	vadd.f32 v39, v21;
	v35 =	vadd.f32 v36, v35;
	v36 =	vmul.f32 v20, v62  }
0x153: {  	v34 =	vadd.f32 v17, v34;
	v38 =	vadd.f32 v38, v14;
	v20 =	vmul.f32 v20, v1;
	v39 =	vld [tilespmem:s18+$0x2000]  }
0x154: {  	v14 =	vadd.f32 v35, v37;
	v21 =	vadd.f32 v36, v21  }
0x155: {  	v17 =	vadd.f32 v38, v37;
	v20 =	vadd.f32 v20, v34  }
0x156: {  	v34 =	vadd.f32 v14, v29;
	v21 =	vadd.f32 v21, v37  }
0x157: {  	v35 =	vadd.f32 v17, v28;
	v20 =	vadd.f32 v20, v37  }
0x158: {  	v34 =	vmin.f32 v39, v34;
	v36 =	vadd.f32 v21, v27  }
0x159: {  	v34 =	vmin.f32 v34, v35;
	v35 =	vadd.f32 v20, v26  }
0x15a: {  	v34 =	vmin.f32 v34, v36  }
0x15b: {  	v34 =	vmin.f32 v34, v35  }
0x15c: {  	[tilespmem:s18+$0x2000] =	vst v34;
	s18 =	sor.u32 s21, s22  }
0x15d: {  	v34 =	vld [tilespmem:s18+$0x0]  }
0x15e: {  	v35 =	vld [tilespmem:s18+$0x80];
	_ =	sdelay $0x1  }
0x15f: {  	v36 =	vld [tilespmem:s18+$0x100];
	_ =	sdelay $0x1  }
0x160: {  	v37 =	vmul.f32 v34, v54;
	v39 =	vmul.f32 v34, v57  }
0x161: {  	v18 =	vmin.f32 v18, v20;
	v41 =	vmul.f32 v34, v63;
	v40 =	vmul.f32 v35, v55  }
.Ltmp4:
0x162: {  	v20 =	vmin.f32 v19, v21;
	v19 =	vmul.f32 v35, v58;
	v21 =	vmul.f32 v35, v61;
	v38 =	vld [tilespmem:s18+$0x180];
	(pc) =	sbr.rel @p0 .LBB2_11-.Ltmp4, $4  }
0x163: {  	v48 =	vmul.f32 v34, v60;
	v37 =	vadd.f32 v40, v37;
	v40 =	vmul.f32 v36, v56  }
0x164: {  	v52 =	vmul.f32 v35, v0;
	s18 =	sand.u32 $0x780, s20;
	v39 =	vadd.f32 v19, v39;
	v51 =	vmul.f32 v36, v59  }
0x165: {  	s18 =	sor.u32 s21, s18;
	v21 =	vadd.f32 v21, v48;
	v35 =	vmul.f32 v36, v62;
	v34 =	vadd.f32 v40, v37  }
0x166: {  	v40 =	vadd.f32 v51, v39;
	v39 =	vadd.f32 v52, v41;
	v41 =	vmul.f32 v36, v1;
	v19 =	vld [tilespmem:s18+$0x2000]  }
0x167: {  	v0 =	vld [tilespmem:$0x1FF70]  }
0x168: {  	v1 =	vld [tilespmem:$0x1FF80];
	_ =	sdelay $0x2  }
0x169: {  	v59 =	vld [tilespmem:$0x1FFA0]  }
0x16a: {  	v60 =	vld [tilespmem:$0x1FFF0]  }
0x16b: {  	v0 =	vmin.f32 v0, v1;
	v1 =	vld [tilespmem:$0x1FF90]  }
0x16c: {  	v61 =	vld [tilespmem:$0x1FFB0]  }
0x16d: {  	v62 =	vld [tilespmem:$0x1FFC0];
	_ =	sdelay $0x1  }
0x16e: {  	v0 =	vadd.f32 v0, v22  }
0x16f: {  	v1 =	vmin.f32 v1, v59  }
0x170: {  	v0 =	vadd.f32 v0, v60;
	v1 =	vadd.f32 v1, v23  }
0x171: {  	v63 =	vld [tilespmem:$0x1FFD0];
	v22 =	vmin.f32 v61, v62  }
0x172: {  	v0 =	vadd.f32 v1, v0;
	v1 =	vadd.f32 v22, v24;
	v24 =	vld [tilespmem:$0x1FFE0];
	_ =	sdelay $0x4  }
0x173: {  	v22 =	vmin.f32 v63, v24  }
0x174: {  	v0 =	vadd.f32 v1, v0;
	v1 =	vadd.f32 v22, v25;
	v25 =	vld [tilespmem:$0x1FF40]  }
0x175: {  	v36 =	vld [tilespmem:$0x1FF50];
	_ =	sdelay $0x3  }
0x176: {  	v22 =	vmin.f32 v49, v25  }
0x177: {  	v0 =	vadd.f32 v1, v0;
	v1 =	vadd.f32 v22, v31;
	v22 =	vmin.f32 v46, v36;
	v46 =	vld [tilespmem:$0x1FF60]  }
0x178: {  	v31 =	vmin.f32 v50, v53  }
0x179: {  	v0 =	vadd.f32 v1, v0;
	v1 =	vadd.f32 v31, v32;
	_ =	sdelay $0x1  }
0x17a: {  	v0 =	vadd.f32 v1, v0;
	v1 =	vadd.f32 v22, v33  }
0x17b: {  	v37 =	vadd.f32 v34, v38;
	v23 =	vmin.f32 v47, v46  }
0x17c: {  	v15 =	vmin.f32 v15, v17;
	v0 =	vadd.f32 v1, v0;
	v1 =	vadd.f32 v23, v30  }
0x17d: {  	v48 =	vadd.f32 v35, v21;
	v11 =	vmin.f32 v11, v13;
	v10 =	vmin.f32 v10, v12  }
0x17e: {  	v2 =	vmin.f32 v2, v3;
	v0 =	vadd.f32 v1, v0;
	v1 =	vadd.f32 v11, v45  }
0x17f: {  	v2 =	vadd.f32 v2, v42;
	v49 =	vadd.f32 v40, v38;
	v50 =	vmin.f32 v16, v14  }
0x180: {  	v52 =	vmin.f32 v50, v37;
	v0 =	vadd.f32 v1, v0;
	v1 =	vadd.f32 v10, v44  }
0x181: {  	v53 =	vmin.f32 v15, v49;
	v54 =	vperm.xlane v52, v5;
	v11 =	vadd.f32 v41, v39  }
0x182: {  	v10 =	vadd.f32 v48, v38;
	v0 =	vadd.f32 v1, v0;
	v1 =	vmin.f32 v4, v9  }
0x183: {  	v4 =	vmin.f32 v52, v54;
	v9 =	vperm.xlane v53, v5;
	v1 =	vadd.f32 v1, v43  }
0x184: {  	v11 =	vadd.f32 v11, v38;
	v55 =	vmin.f32 v20, v10;
	v57 =	vperm.xlane v4, v6  }
0x185: {  	v0 =	vadd.f32 v1, v0;
	v1 =	vmin.f32 v53, v9;
	v9 =	vperm.xlane v55, v5  }
0x186: {  	v56 =	vmin.f32 v18, v11;
	v3 =	vmin.f32 v4, v57;
	v4 =	vperm.xlane v1, v6  }
0x187: {  	v59 =	vperm.xlane v56, v5;
	v58 =	vperm.xlane v3, v7;
	v9 =	vmin.f32 v55, v9  }
0x188: {  	v51 =	vadd.f32 v37, v29;
	v1 =	vmin.f32 v1, v4;
	v4 =	vperm.xlane v9, v6  }
0x189: {  	v12 =	vmin.f32 v56, v59;
	v3 =	vmin.f32 v3, v58;
	v60 =	vperm.xlane v1, v7  }
0x18a: {  	v61 =	vperm.xlane v3, v8;
	v4 =	vmin.f32 v9, v4;
	v9 =	vperm.xlane v12, v6  }
0x18b: {  	v0 =	vadd.f32 v2, v0;
	v1 =	vmin.f32 v1, v60;
	v2 =	vperm.xlane v4, v7  }
0x18c: {  	v3 =	vmin.f32 v3, v61;
	v13 =	vperm.xlane v1, v8;
	v9 =	vmin.f32 v12, v9  }
0x18d: {  	v3 =	vadd.f32 v3, v29;
	v2 =	vmin.f32 v4, v2;
	v4 =	vperm.xlane v9, v7  }
0x18e: {  	v62 =	vadd.f32 v49, v28;
	v1 =	vmin.f32 v1, v13;
	v63 =	vperm.xlane v2, v8  }
0x18f: {  	s16 =	sadd.s32 $0x1, s16;
	v0 =	vadd.f32 v3, v0;
	v1 =	vadd.f32 v1, v28;
	v3 =	vmin.f32 v9, v4  }
0x190: {  	p0 =	sne.s32 s16, $0x6;
	v4 =	vadd.f32 v10, v27;
	v2 =	vmin.f32 v2, v63;
	v9 =	vperm.xlane v3, v8  }
.Ltmp5:
0x191: {  	v10 =	vmin.f32 v19, v51;
	v0 =	vadd.f32 v1, v0;
	v1 =	vadd.f32 v2, v27;
	(pc) =	sbr.rel @p0 .LBB2_4-.Ltmp5, $4  }
0x192: {  	v2 =	vmin.f32 v10, v62;
	v10 =	vadd.f32 v11, v26;
	v3 =	vmin.f32 v3, v9  }
0x193: {  	v2 =	vmin.f32 v2, v4;
	v0 =	vadd.f32 v1, v0;
	v1 =	vadd.f32 v3, v26  }
0x194: {  	v2 =	vmin.f32 v2, v10  }
0x195: {  	[tilespmem:s18+$0x2000] =	vst v2;
	v0 =	vadd.f32 v1, v0  }
0x196: {  	_ = 	snop  }
0x197: {  	[tilespmem:$0x2A00] =	vst v0  }
0x198: {  	[hbm4b:s5+s10] =	stream.strided.scatter [tilespmem:s12], [sflag:$0x1], $0x800, s11, s10, $0x38;
	[tilespmem:$0x2A80] =	vst v63  }
0x199: {  	s14 =	sadd.s32 $0x1, s14;
	_ =	swait.ge [sflag:s8], $0x800  }
0x19a: {  	p0 =	sne.s32 s14, s7;
	[sflag:s8] =	ssyncset.done $0x0  }
.Ltmp6:
0x19b: {  	[sflag:s8] =	ssyncadd.s32 $0xFFFFF800;
	(pc) =	sbr.rel @p0 .LBB2_1-.Ltmp6, $4  }
0x19c: {  	[hbm4b:s6+s1] =	stream.linear.scatter [tilespmem:s13], [sflag:$0x1], $0x80, $0x38;
	[tilespmem:$0x2A80] =	vst v63  }
0x19d: {  	_ =	swait.ge [sflag:s8], $0x80  }
0x19e: {  	[sflag:s8] =	ssyncset.done $0x0  }
0x19f: {  	v9 =	vimm.f32 $3.000000010e+38;
	[sflag:s8] =	ssyncadd.s32 $0xFFFFFF80  }
0x1a0: {  	_ =	sfence.sel $0x180000  }
0x1a1: {  	[bflag:$0x0] =	sbarrier.arrive $0xFFFF  }
0x1a2: {  	p0 =	sne.s32 s0, $0x0;
	_ =	strace $0x90000047  }
0x1a3: {  	s0 =	sadd.s32 @!p0 $0x100000, s2;
	[bflag:$0x2] =	sbarrier.arrive $0xFFFF  }
0x1a4: {  	[sflag:s0] =	ssyncadd.tile.s32 @!p0 $0x1;
	_ =	shalt  }
.Lfunc_end2:
_tile_overlayer_lowered:
.L_overlay_start_2:
0x1a5: {  	(tag) =	ssettag $0x2  }
0x1a6: {  	s0 =	rddreg [dreg:$0x0];
	s2 =	stileid.u32  }
0x1a7: {  	s1 =	rddreg [dreg:$0x1];
	p0 =	sne.s32 s2, $0x0  }
0x1a8: {  	s3 =	rddreg [dreg:$0x2];
	[bflag:$0x3] =	sbarrier.arrive $0xFFFF;
	s2 =	simm.s32 @!p0 $0x1C01  }
0x1a9: {  	[timem:s3], [sflag:s2] =	dma.local @!p0 [hbm:s0], s1  }
0x1aa: {  	s0 =	simm.s32 @!p0 $0x1  }
0x1ab: {  	_ =	swait.ge @!p0 [sflag:s0], s1  }
0x1ac: {  	s1 =	ssub.s32 @!p0 $0x0, s1;
	[sflag:s0] =	ssyncset.done @!p0 $0x0  }
0x1ad: {  	[sflag:s0] =	ssyncadd.s32 @!p0 s1  }
0x1ae: {  	[bflag:$0x3] =	sbarrier.arrive $0xFFFF  }
0x1af: {  	_ =	shalt  }

</sc_bundles>
